<compile_context>
chip_gen: v7x
topology: tpu7x:2x2x1
jax: 0.10.2.dev20260603
libtpu: 0.0.44.dev20260713+nightly
codegen_flags: <defaults>
</compile_context>

<pallas_src>
import functools

import jax
import jax.numpy as jnp
from jax import lax
from jax.experimental import pallas as pl
from jax.experimental.pallas import tpu as pltpu
from jax.experimental.pallas import tpu_sc as plsc

ROWS = 128
COLS = 32768
LANES = 16
NUM_WORKERS = 32

SC_ROWS = 64
TC_ROWS = ROWS - SC_ROWS
RPW = SC_ROWS // NUM_WORKERS
VECS_PER_ROW = COLS // LANES

NEG_INF = float("-inf")
NACC = 8


def _insert(a1, a2, a3, v):
    n1 = jnp.maximum(a1, v)
    t = jnp.minimum(a1, v)
    n2 = jnp.maximum(a2, t)
    t2 = jnp.minimum(a2, t)
    n3 = jnp.maximum(a3, t2)
    return n1, n2, n3


def _merge(a, b):
    a1, a2, a3 = a
    b1, b2, b3 = b
    r1 = jnp.maximum(a1, b1)
    c = jnp.minimum(a1, b1)
    d = jnp.maximum(a2, b2)
    r2 = jnp.maximum(c, d)
    r3 = jnp.maximum(jnp.minimum(c, d), jnp.maximum(a3, b3))
    return r1, r2, r3


@functools.partial(
    pl.kernel,
    mesh=plsc.VectorSubcoreMesh(core_axis_name="c", subcore_axis_name="s"),
    out_type=jax.ShapeDtypeStruct((NUM_WORKERS, LANES), jnp.float32),
    compiler_params=pltpu.CompilerParams(
        needs_layout_passes=False, skip_device_barrier=True
    ),
    scratch_types=[
        pltpu.VMEM((COLS,), jnp.float32),
        pltpu.VMEM((COLS,), jnp.float32),
        pltpu.VMEM((LANES,), jnp.float32),
        pltpu.SemaphoreType.DMA,
        pltpu.SemaphoreType.DMA,
        pltpu.SemaphoreType.DMA,
        pltpu.SemaphoreType.DMA,
        pltpu.SemaphoreType.DMA,
        pltpu.SemaphoreType.DMA,
    ],
)
def _topk_sc(x_hbm, out_hbm, buf0, buf1, out_v, sem0, sem1, sc0, sc1, sc2, sc3):
    wid = lax.axis_index("s") * 2 + lax.axis_index("c")
    base_row = wid * RPW
    bufs = (buf0, buf1)
    sems = (sem0, sem1)
    csems = (sc0, sc1, sc2, sc3)
    lanes = lax.iota(jnp.int32, LANES)

    CHUNKS = 4
    CHUNK = COLS // CHUNKS
    row0_copies = [
        pltpu.async_copy(
            x_hbm.at[base_row, pl.ds(c * CHUNK, CHUNK)],
            bufs[0].at[pl.ds(c * CHUNK, CHUNK)],
            csems[c],
        )
        for c in range(CHUNKS)
    ]

    res = jnp.zeros((LANES,), jnp.float32)
    for r in range(RPW):
        if r + 1 < RPW:
            copies_next = pltpu.async_copy(
                x_hbm.at[base_row + (r + 1)],
                bufs[(r + 1) % 2],
                sems[(r + 1) % 2],
            )
        buf = bufs[r % 2]

        def body(i, carry, buf=buf, base=0):
            out = []
            for j in range(NACC):
                a1, a2, a3 = carry[j]
                off = pl.multiple_of(base + (i * NACC + j) * LANES, LANES)
                v = buf[pl.ds(off, LANES)]
                out.append(_insert(a1, a2, a3, v))
            return tuple(out)

        ninf = jnp.full((LANES,), NEG_INF, jnp.float32)
        init = tuple((ninf, ninf, ninf) for _ in range(NACC))
        if r == 0:
            accs = init
            for c in range(CHUNKS):
                row0_copies[c].wait()
                accs = lax.fori_loop(
                    0,
                    CHUNK // LANES // NACC,
                    functools.partial(body, base=c * CHUNK),
                    accs,
                )
            accs = list(accs)
        else:
            copies_prev.wait()
            accs = list(lax.fori_loop(0, VECS_PER_ROW // NACC, body, init))
        if r + 1 < RPW:
            copies_prev = copies_next
        while len(accs) > 1:
            accs = [_merge(accs[i], accs[i + 1]) for i in range(0, len(accs), 2)]
        a1, a2, a3 = accs[0]

        for k in range(3):
            m = jnp.max(a1)
            res = jnp.where(lanes == (3 * r + k), m, res)
            if k < 2:
                f = plsc.all_reduce_ffs(a1 == m)
                sel = lanes == f
                a1 = jnp.where(sel, a2, a1)
                a2 = jnp.where(sel, a3, a2)
                a3 = jnp.where(sel, NEG_INF, a3)

    out_v[...] = res
    pltpu.sync_copy(out_v, out_hbm.at[wid])


TC_BLOCK = 8


def _tc_body(x_ref, o_ref):
    def step(i, carry):
        out = []
        for j in range(NACC):
            a1, a2, a3 = carry[j]
            v = x_ref[:, pl.ds((i * NACC + j) * 128, 128)]
            out.append(_insert(a1, a2, a3, v))
        return tuple(out)

    ninf = jnp.full((TC_BLOCK, 128), NEG_INF, jnp.float32)
    init = tuple((ninf, ninf, ninf) for _ in range(NACC))
    accs = list(lax.fori_loop(0, COLS // 128 // NACC, step, init))
    while len(accs) > 1:
        accs = [_merge(accs[i], accs[i + 1]) for i in range(0, len(accs), 2)]
    a = accs[0]

    for s in (64, 32, 16, 8, 4, 2, 1):
        rolled = tuple(pltpu.roll(v, s, 1) for v in a)
        a = _merge(a, rolled)
    r1, r2, r3 = a
    lane = lax.broadcasted_iota(jnp.int32, (TC_BLOCK, 128), 1)
    full = jnp.where(lane == 0, r1, jnp.where(lane == 1, r2, r3))
    o_ref[...] = full[:, :8]


def _topk_tc(x):
    return pl.pallas_call(
        _tc_body,
        grid=(TC_ROWS // TC_BLOCK,),
        in_specs=[
            pl.BlockSpec((TC_BLOCK, COLS), lambda i: (i + SC_ROWS // TC_BLOCK, 0)),
        ],
        out_specs=pl.BlockSpec((TC_BLOCK, 8), lambda i: (i, 0)),
        out_shape=jax.ShapeDtypeStruct((TC_ROWS, 8), jnp.float32),
    )(x)


def kernel(x):
    sc_part = _topk_sc(x)[:, : 3 * RPW].reshape(SC_ROWS, 3)
    tc_part = _topk_tc(x)[:, :3]
    return jnp.concatenate([sc_part, tc_part], axis=0)

# --- scband reference (transcript-rebuilt; emitter-appended) ---
"""Pipeline reference for scband-top-kvalues-test-model-7550552506550 (READ-ONLY COPY).

The authoritative reference and input builder live on the scoring server;
editing this copy changes nothing except your own understanding.
"""

import jax, jax.numpy as jnp
import numpy as np

def setup_inputs(seed: int = 0) -> dict:
    key = jax.random.key(seed)
    x = jax.random.normal(key, (128, 32768), dtype=jnp.float32)
    return {"x": x}

def reference(x):
    # torch.topk(x, 3, dim=1) values, largest=True; dim=1 is the last axis of 2D x
    values, _ = jax.lax.top_k(x, 3)
    return values

if __name__ == "__main__":
    import jax
    _d = setup_inputs()
    print(jax.jit(kernel)(*tuple(_d.values())))

</pallas_src>

<mosaic_0001>
#map = affine_map<(d0, d1) -> (0, 0)>
module attributes {stable_mosaic.version = 14 : i64} {
  func.func @_topk_sc(%arg0: i32, %arg1: i32, %arg2: memref<128x32768xf32, #tpu.memory_space<hbm>>, %arg3: memref<32x16xf32, #tpu.memory_space<hbm>>, %arg4: memref<32768xf32, #tpu.memory_space<vmem>>, %arg5: memref<32768xf32, #tpu.memory_space<vmem>>, %arg6: memref<16xf32, #tpu.memory_space<vmem>>, %arg7: memref<!tpu.dma_semaphore, #tpu.memory_space<semaphore_mem>>, %arg8: memref<!tpu.dma_semaphore, #tpu.memory_space<semaphore_mem>>, %arg9: memref<!tpu.dma_semaphore, #tpu.memory_space<semaphore_mem>>, %arg10: memref<!tpu.dma_semaphore, #tpu.memory_space<semaphore_mem>>, %arg11: memref<!tpu.dma_semaphore, #tpu.memory_space<semaphore_mem>>, %arg12: memref<!tpu.dma_semaphore, #tpu.memory_space<semaphore_mem>>) attributes {dimension_semantics = [#tpu.dimension_semantics<core_parallel>, #tpu.dimension_semantics<subcore_parallel>], iteration_bounds = array<i64: 2, 16>, scalar_prefetch = 0 : i64, scratch_operands = 9 : i64, tpu.core_type = #tpu.core_type<sc_vector_subcore>, window_params = [{transform_indices = #map}, {transform_indices = #map}]} {
    %mul3A = arith.constant 2 : i32
    %mul3A_0 = arith.muli %arg1, %mul3A : i32
    %add3A = arith.addi %mul3A_0, %arg0 : i32
    %mul3A_1 = arith.constant 2 : i32
    %mul3A_2 = arith.muli %add3A, %mul3A_1 : i32
    %iota3A = tpu.iota {dimensions = array<i32: 0>} : vector<16xi32>
    %dma_start3A = arith.constant 0 : i32
    %dma_start3A_3 = tpu.memref_slice %arg4[%dma_start3A] : memref<32768xf32, #tpu.memory_space<vmem>> -> memref<8192xf32, #tpu.memory_space<vmem>>
    %dma_start3A_4 = arith.constant 0 : i32
    %dma_start3A_5 = tpu.memref_slice %arg2[%mul3A_2, %dma_start3A_4] : memref<128x32768xf32, #tpu.memory_space<hbm>> -> memref<1x8192xf32, #tpu.memory_space<hbm>>
    %dma_start3A_6 = tpu.memref_squeeze %dma_start3A_5 : memref<1x8192xf32, #tpu.memory_space<hbm>> -> memref<8192xf32, #tpu.memory_space<hbm>>
    %dma_start3A_7 = arith.constant 0 : i32
    %dma_start3A_8 = tpu.memref_slice %arg4[%dma_start3A_7] : memref<32768xf32, #tpu.memory_space<vmem>> -> memref<8192xf32, #tpu.memory_space<vmem>>
    %dma_start3A_9 = arith.constant 0 : i32
    %dma_start3A_10 = tpu.memref_slice %arg2[%mul3A_2, %dma_start3A_9] : memref<128x32768xf32, #tpu.memory_space<hbm>> -> memref<1x8192xf32, #tpu.memory_space<hbm>>
    %dma_start3A_11 = tpu.memref_squeeze %dma_start3A_10 : memref<1x8192xf32, #tpu.memory_space<hbm>> -> memref<8192xf32, #tpu.memory_space<hbm>>
    tpu.enqueue_dma source(%dma_start3A_11 : memref<8192xf32, #tpu.memory_space<hbm>>) target(%dma_start3A_8 : memref<8192xf32, #tpu.memory_space<vmem>>) target_semaphore(%arg9 : memref<!tpu.dma_semaphore, #tpu.memory_space<semaphore_mem>>)
    %dma_start3A_12 = arith.constant 8192 : i32
    %dma_start3A_13 = tpu.memref_slice %arg4[%dma_start3A_12] : memref<32768xf32, #tpu.memory_space<vmem>> -> memref<8192xf32, #tpu.memory_space<vmem>>
    %dma_start3A_14 = arith.constant 8192 : i32
    %dma_start3A_15 = tpu.memref_slice %arg2[%mul3A_2, %dma_start3A_14] : memref<128x32768xf32, #tpu.memory_space<hbm>> -> memref<1x8192xf32, #tpu.memory_space<hbm>>
    %dma_start3A_16 = tpu.memref_squeeze %dma_start3A_15 : memref<1x8192xf32, #tpu.memory_space<hbm>> -> memref<8192xf32, #tpu.memory_space<hbm>>
    %dma_start3A_17 = arith.constant 8192 : i32
    %dma_start3A_18 = tpu.memref_slice %arg4[%dma_start3A_17] : memref<32768xf32, #tpu.memory_space<vmem>> -> memref<8192xf32, #tpu.memory_space<vmem>>
    %dma_start3A_19 = arith.constant 8192 : i32
    %dma_start3A_20 = tpu.memref_slice %arg2[%mul3A_2, %dma_start3A_19] : memref<128x32768xf32, #tpu.memory_space<hbm>> -> memref<1x8192xf32, #tpu.memory_space<hbm>>
    %dma_start3A_21 = tpu.memref_squeeze %dma_start3A_20 : memref<1x8192xf32, #tpu.memory_space<hbm>> -> memref<8192xf32, #tpu.memory_space<hbm>>
    tpu.enqueue_dma source(%dma_start3A_21 : memref<8192xf32, #tpu.memory_space<hbm>>) target(%dma_start3A_18 : memref<8192xf32, #tpu.memory_space<vmem>>) target_semaphore(%arg10 : memref<!tpu.dma_semaphore, #tpu.memory_space<semaphore_mem>>)
    %dma_start3A_22 = arith.constant 16384 : i32
    %dma_start3A_23 = tpu.memref_slice %arg4[%dma_start3A_22] : memref<32768xf32, #tpu.memory_space<vmem>> -> memref<8192xf32, #tpu.memory_space<vmem>>
    %dma_start3A_24 = arith.constant 16384 : i32
    %dma_start3A_25 = tpu.memref_slice %arg2[%mul3A_2, %dma_start3A_24] : memref<128x32768xf32, #tpu.memory_space<hbm>> -> memref<1x8192xf32, #tpu.memory_space<hbm>>
    %dma_start3A_26 = tpu.memref_squeeze %dma_start3A_25 : memref<1x8192xf32, #tpu.memory_space<hbm>> -> memref<8192xf32, #tpu.memory_space<hbm>>
    %dma_start3A_27 = arith.constant 16384 : i32
    %dma_start3A_28 = tpu.memref_slice %arg4[%dma_start3A_27] : memref<32768xf32, #tpu.memory_space<vmem>> -> memref<8192xf32, #tpu.memory_space<vmem>>
    %dma_start3A_29 = arith.constant 16384 : i32
    %dma_start3A_30 = tpu.memref_slice %arg2[%mul3A_2, %dma_start3A_29] : memref<128x32768xf32, #tpu.memory_space<hbm>> -> memref<1x8192xf32, #tpu.memory_space<hbm>>
    %dma_start3A_31 = tpu.memref_squeeze %dma_start3A_30 : memref<1x8192xf32, #tpu.memory_space<hbm>> -> memref<8192xf32, #tpu.memory_space<hbm>>
    tpu.enqueue_dma source(%dma_start3A_31 : memref<8192xf32, #tpu.memory_space<hbm>>) target(%dma_start3A_28 : memref<8192xf32, #tpu.memory_space<vmem>>) target_semaphore(%arg11 : memref<!tpu.dma_semaphore, #tpu.memory_space<semaphore_mem>>)
    %dma_start3A_32 = arith.constant 24576 : i32
    %dma_start3A_33 = tpu.memref_slice %arg4[%dma_start3A_32] : memref<32768xf32, #tpu.memory_space<vmem>> -> memref<8192xf32, #tpu.memory_space<vmem>>
    %dma_start3A_34 = arith.constant 24576 : i32
    %dma_start3A_35 = tpu.memref_slice %arg2[%mul3A_2, %dma_start3A_34] : memref<128x32768xf32, #tpu.memory_space<hbm>> -> memref<1x8192xf32, #tpu.memory_space<hbm>>
    %dma_start3A_36 = tpu.memref_squeeze %dma_start3A_35 : memref<1x8192xf32, #tpu.memory_space<hbm>> -> memref<8192xf32, #tpu.memory_space<hbm>>
    %dma_start3A_37 = arith.constant 24576 : i32
    %dma_start3A_38 = tpu.memref_slice %arg4[%dma_start3A_37] : memref<32768xf32, #tpu.memory_space<vmem>> -> memref<8192xf32, #tpu.memory_space<vmem>>
    %dma_start3A_39 = arith.constant 24576 : i32
    %dma_start3A_40 = tpu.memref_slice %arg2[%mul3A_2, %dma_start3A_39] : memref<128x32768xf32, #tpu.memory_space<hbm>> -> memref<1x8192xf32, #tpu.memory_space<hbm>>
    %dma_start3A_41 = tpu.memref_squeeze %dma_start3A_40 : memref<1x8192xf32, #tpu.memory_space<hbm>> -> memref<8192xf32, #tpu.memory_space<hbm>>
    tpu.enqueue_dma source(%dma_start3A_41 : memref<8192xf32, #tpu.memory_space<hbm>>) target(%dma_start3A_38 : memref<8192xf32, #tpu.memory_space<vmem>>) target_semaphore(%arg12 : memref<!tpu.dma_semaphore, #tpu.memory_space<semaphore_mem>>)
    %broadcast_in_dim3A = arith.constant 0.000000e+00 : f32
    %broadcast_in_dim3A_42 = vector.broadcast %broadcast_in_dim3A : f32 to vector<16xf32>
    %add3A_43 = arith.constant 1 : i32
    %add3A_44 = arith.addi %mul3A_2, %add3A_43 : i32
    %dma_start3A_45 = arith.constant 0 : i32
    %dma_start3A_46 = tpu.memref_slice %arg2[%add3A_44, %dma_start3A_45] : memref<128x32768xf32, #tpu.memory_space<hbm>> -> memref<1x32768xf32, #tpu.memory_space<hbm>>
    %dma_start3A_47 = tpu.memref_squeeze %dma_start3A_46 : memref<1x32768xf32, #tpu.memory_space<hbm>> -> memref<32768xf32, #tpu.memory_space<hbm>>
    %dma_start3A_48 = arith.constant 0 : i32
    %dma_start3A_49 = tpu.memref_slice %arg2[%add3A_44, %dma_start3A_48] : memref<128x32768xf32, #tpu.memory_space<hbm>> -> memref<1x32768xf32, #tpu.memory_space<hbm>>
    %dma_start3A_50 = tpu.memref_squeeze %dma_start3A_49 : memref<1x32768xf32, #tpu.memory_space<hbm>> -> memref<32768xf32, #tpu.memory_space<hbm>>
    tpu.enqueue_dma source(%dma_start3A_50 : memref<32768xf32, #tpu.memory_space<hbm>>) target(%arg5 : memref<32768xf32, #tpu.memory_space<vmem>>) target_semaphore(%arg8 : memref<!tpu.dma_semaphore, #tpu.memory_space<semaphore_mem>>)
    %broadcast_in_dim3A_51 = arith.constant 0xFF800000 : f32
    %broadcast_in_dim3A_52 = vector.broadcast %broadcast_in_dim3A_51 : f32 to vector<16xf32>
    %dma_wait3A = arith.constant 0 : i32
    %dma_wait3A_53 = tpu.memref_slice %arg4[%dma_wait3A] : memref<32768xf32, #tpu.memory_space<vmem>> -> memref<8192xf32, #tpu.memory_space<vmem>>
    %dma_wait3A_54 = arith.constant 0 : i32
    %dma_wait3A_55 = tpu.memref_slice %arg2[%mul3A_2, %dma_wait3A_54] : memref<128x32768xf32, #tpu.memory_space<hbm>> -> memref<1x8192xf32, #tpu.memory_space<hbm>>
    %dma_wait3A_56 = tpu.memref_squeeze %dma_wait3A_55 : memref<1x8192xf32, #tpu.memory_space<hbm>> -> memref<8192xf32, #tpu.memory_space<hbm>>
    %dma_wait3A_57 = arith.constant 0 : i32
    %dma_wait3A_58 = tpu.memref_slice %arg4[%dma_wait3A_57] : memref<32768xf32, #tpu.memory_space<vmem>> -> memref<8192xf32, #tpu.memory_space<vmem>>
    %dma_wait3A_59 = arith.constant 0 : i32
    %dma_wait3A_60 = tpu.memref_slice %arg2[%mul3A_2, %dma_wait3A_59] : memref<128x32768xf32, #tpu.memory_space<hbm>> -> memref<1x8192xf32, #tpu.memory_space<hbm>>
    %dma_wait3A_61 = tpu.memref_squeeze %dma_wait3A_60 : memref<1x8192xf32, #tpu.memory_space<hbm>> -> memref<8192xf32, #tpu.memory_space<hbm>>
    tpu.wait_dma2 semaphore(%arg9 : memref<!tpu.dma_semaphore, #tpu.memory_space<semaphore_mem>>) src(%dma_wait3A_61 : memref<8192xf32, #tpu.memory_space<hbm>>) dst(%dma_wait3A_58 : memref<8192xf32, #tpu.memory_space<vmem>>)
    %scan3A = arith.constant 0 : i32
    %scan3A_62 = arith.constant 64 : i32
    %scan3A_63 = arith.addi %scan3A, %scan3A_62 : i32
    %scan3A_64 = arith.constant 1 : i32
    %scan3A_65:24 = scf.for %scan3A_311 = %scan3A to %scan3A_63 step %scan3A_64 iter_args(%scan3A_312 = %broadcast_in_dim3A_52, %scan3A_313 = %broadcast_in_dim3A_52, %scan3A_314 = %broadcast_in_dim3A_52, %scan3A_315 = %broadcast_in_dim3A_52, %scan3A_316 = %broadcast_in_dim3A_52, %scan3A_317 = %broadcast_in_dim3A_52, %scan3A_318 = %broadcast_in_dim3A_52, %scan3A_319 = %broadcast_in_dim3A_52, %scan3A_320 = %broadcast_in_dim3A_52, %scan3A_321 = %broadcast_in_dim3A_52, %scan3A_322 = %broadcast_in_dim3A_52, %scan3A_323 = %broadcast_in_dim3A_52, %scan3A_324 = %broadcast_in_dim3A_52, %scan3A_325 = %broadcast_in_dim3A_52, %scan3A_326 = %broadcast_in_dim3A_52, %scan3A_327 = %broadcast_in_dim3A_52, %scan3A_328 = %broadcast_in_dim3A_52, %scan3A_329 = %broadcast_in_dim3A_52, %scan3A_330 = %broadcast_in_dim3A_52, %scan3A_331 = %broadcast_in_dim3A_52, %scan3A_332 = %broadcast_in_dim3A_52, %scan3A_333 = %broadcast_in_dim3A_52, %scan3A_334 = %broadcast_in_dim3A_52, %scan3A_335 = %broadcast_in_dim3A_52) -> (vector<16xf32>, vector<16xf32>, vector<16xf32>, vector<16xf32>, vector<16xf32>, vector<16xf32>, vector<16xf32>, vector<16xf32>, vector<16xf32>, vector<16xf32>, vector<16xf32>, vector<16xf32>, vector<16xf32>, vector<16xf32>, vector<16xf32>, vector<16xf32>, vector<16xf32>, vector<16xf32>, vector<16xf32>, vector<16xf32>, vector<16xf32>, vector<16xf32>, vector<16xf32>, vector<16xf32>)  : i32 {
      %mul3A_336 = arith.constant 8 : i32
      %mul3A_337 = arith.muli %scan3A_311, %mul3A_336 : i32
      %add3A_338 = arith.constant 0 : i32
      %add3A_339 = arith.addi %mul3A_337, %add3A_338 : i32
      %mul3A_340 = arith.constant 16 : i32
      %mul3A_341 = arith.muli %add3A_339, %mul3A_340 : i32
      %add3A_342 = arith.constant 0 : i32
      %add3A_343 = arith.addi %add3A_342, %mul3A_341 : i32
      %multiple_of3A = tpu.assume_multiple %add3A_343, 16 : i32
      %get3A = arith.index_cast %multiple_of3A : i32 to index
      %get3A_344 = tpu.vector_load %arg4[%get3A] {strides = array<i32>} : memref<32768xf32, #tpu.memory_space<vmem>>, vector<16xf32>,
      %max3A_345 = arith.maximumf %scan3A_312, %get3A_344 : vector<16xf32>
      %min3A_346 = arith.minimumf %scan3A_312, %get3A_344 : vector<16xf32>
      %max3A_347 = arith.maximumf %scan3A_313, %min3A_346 : vector<16xf32>
      %min3A_348 = arith.minimumf %scan3A_313, %min3A_346 : vector<16xf32>
      %max3A_349 = arith.maximumf %scan3A_314, %min3A_348 : vector<16xf32>
      %mul3A_350 = arith.constant 8 : i32
      %mul3A_351 = arith.muli %scan3A_311, %mul3A_350 : i32
      %add3A_352 = arith.constant 1 : i32
      %add3A_353 = arith.addi %mul3A_351, %add3A_352 : i32
      %mul3A_354 = arith.constant 16 : i32
      %mul3A_355 = arith.muli %add3A_353, %mul3A_354 : i32
      %add3A_356 = arith.constant 0 : i32
      %add3A_357 = arith.addi %add3A_356, %mul3A_355 : i32
      %multiple_of3A_358 = tpu.assume_multiple %add3A_357, 16 : i32
      %get3A_359 = arith.index_cast %multiple_of3A_358 : i32 to index
      %get3A_360 = tpu.vector_load %arg4[%get3A_359] {strides = array<i32>} : memref<32768xf32, #tpu.memory_space<vmem>>, vector<16xf32>,
      %max3A_361 = arith.maximumf %scan3A_315, %get3A_360 : vector<16xf32>
      %min3A_362 = arith.minimumf %scan3A_315, %get3A_360 : vector<16xf32>
      %max3A_363 = arith.maximumf %scan3A_316, %min3A_362 : vector<16xf32>
      %min3A_364 = arith.minimumf %scan3A_316, %min3A_362 : vector<16xf32>
      %max3A_365 = arith.maximumf %scan3A_317, %min3A_364 : vector<16xf32>
      %mul3A_366 = arith.constant 8 : i32
      %mul3A_367 = arith.muli %scan3A_311, %mul3A_366 : i32
      %add3A_368 = arith.constant 2 : i32
      %add3A_369 = arith.addi %mul3A_367, %add3A_368 : i32
      %mul3A_370 = arith.constant 16 : i32
      %mul3A_371 = arith.muli %add3A_369, %mul3A_370 : i32
      %add3A_372 = arith.constant 0 : i32
      %add3A_373 = arith.addi %add3A_372, %mul3A_371 : i32
      %multiple_of3A_374 = tpu.assume_multiple %add3A_373, 16 : i32
      %get3A_375 = arith.index_cast %multiple_of3A_374 : i32 to index
      %get3A_376 = tpu.vector_load %arg4[%get3A_375] {strides = array<i32>} : memref<32768xf32, #tpu.memory_space<vmem>>, vector<16xf32>,
      %max3A_377 = arith.maximumf %scan3A_318, %get3A_376 : vector<16xf32>
      %min3A_378 = arith.minimumf %scan3A_318, %get3A_376 : vector<16xf32>
      %max3A_379 = arith.maximumf %scan3A_319, %min3A_378 : vector<16xf32>
      %min3A_380 = arith.minimumf %scan3A_319, %min3A_378 : vector<16xf32>
      %max3A_381 = arith.maximumf %scan3A_320, %min3A_380 : vector<16xf32>
      %mul3A_382 = arith.constant 8 : i32
      %mul3A_383 = arith.muli %scan3A_311, %mul3A_382 : i32
      %add3A_384 = arith.constant 3 : i32
      %add3A_385 = arith.addi %mul3A_383, %add3A_384 : i32
      %mul3A_386 = arith.constant 16 : i32
      %mul3A_387 = arith.muli %add3A_385, %mul3A_386 : i32
      %add3A_388 = arith.constant 0 : i32
      %add3A_389 = arith.addi %add3A_388, %mul3A_387 : i32
      %multiple_of3A_390 = tpu.assume_multiple %add3A_389, 16 : i32
      %get3A_391 = arith.index_cast %multiple_of3A_390 : i32 to index
      %get3A_392 = tpu.vector_load %arg4[%get3A_391] {strides = array<i32>} : memref<32768xf32, #tpu.memory_space<vmem>>, vector<16xf32>,
      %max3A_393 = arith.maximumf %scan3A_321, %get3A_392 : vector<16xf32>
      %min3A_394 = arith.minimumf %scan3A_321, %get3A_392 : vector<16xf32>
      %max3A_395 = arith.maximumf %scan3A_322, %min3A_394 : vector<16xf32>
      %min3A_396 = arith.minimumf %scan3A_322, %min3A_394 : vector<16xf32>
      %max3A_397 = arith.maximumf %scan3A_323, %min3A_396 : vector<16xf32>
      %mul3A_398 = arith.constant 8 : i32
      %mul3A_399 = arith.muli %scan3A_311, %mul3A_398 : i32
      %add3A_400 = arith.constant 4 : i32
      %add3A_401 = arith.addi %mul3A_399, %add3A_400 : i32
      %mul3A_402 = arith.constant 16 : i32
      %mul3A_403 = arith.muli %add3A_401, %mul3A_402 : i32
      %add3A_404 = arith.constant 0 : i32
      %add3A_405 = arith.addi %add3A_404, %mul3A_403 : i32
      %multiple_of3A_406 = tpu.assume_multiple %add3A_405, 16 : i32
      %get3A_407 = arith.index_cast %multiple_of3A_406 : i32 to index
      %get3A_408 = tpu.vector_load %arg4[%get3A_407] {strides = array<i32>} : memref<32768xf32, #tpu.memory_space<vmem>>, vector<16xf32>,
      %max3A_409 = arith.maximumf %scan3A_324, %get3A_408 : vector<16xf32>
      %min3A_410 = arith.minimumf %scan3A_324, %get3A_408 : vector<16xf32>
      %max3A_411 = arith.maximumf %scan3A_325, %min3A_410 : vector<16xf32>
      %min3A_412 = arith.minimumf %scan3A_325, %min3A_410 : vector<16xf32>
      %max3A_413 = arith.maximumf %scan3A_326, %min3A_412 : vector<16xf32>
      %mul3A_414 = arith.constant 8 : i32
      %mul3A_415 = arith.muli %scan3A_311, %mul3A_414 : i32
      %add3A_416 = arith.constant 5 : i32
      %add3A_417 = arith.addi %mul3A_415, %add3A_416 : i32
      %mul3A_418 = arith.constant 16 : i32
      %mul3A_419 = arith.muli %add3A_417, %mul3A_418 : i32
      %add3A_420 = arith.constant 0 : i32
      %add3A_421 = arith.addi %add3A_420, %mul3A_419 : i32
      %multiple_of3A_422 = tpu.assume_multiple %add3A_421, 16 : i32
      %get3A_423 = arith.index_cast %multiple_of3A_422 : i32 to index
      %get3A_424 = tpu.vector_load %arg4[%get3A_423] {strides = array<i32>} : memref<32768xf32, #tpu.memory_space<vmem>>, vector<16xf32>,
      %max3A_425 = arith.maximumf %scan3A_327, %get3A_424 : vector<16xf32>
      %min3A_426 = arith.minimumf %scan3A_327, %get3A_424 : vector<16xf32>
      %max3A_427 = arith.maximumf %scan3A_328, %min3A_426 : vector<16xf32>
      %min3A_428 = arith.minimumf %scan3A_328, %min3A_426 : vector<16xf32>
      %max3A_429 = arith.maximumf %scan3A_329, %min3A_428 : vector<16xf32>
      %mul3A_430 = arith.constant 8 : i32
      %mul3A_431 = arith.muli %scan3A_311, %mul3A_430 : i32
      %add3A_432 = arith.constant 6 : i32
      %add3A_433 = arith.addi %mul3A_431, %add3A_432 : i32
      %mul3A_434 = arith.constant 16 : i32
      %mul3A_435 = arith.muli %add3A_433, %mul3A_434 : i32
      %add3A_436 = arith.constant 0 : i32
      %add3A_437 = arith.addi %add3A_436, %mul3A_435 : i32
      %multiple_of3A_438 = tpu.assume_multiple %add3A_437, 16 : i32
      %get3A_439 = arith.index_cast %multiple_of3A_438 : i32 to index
      %get3A_440 = tpu.vector_load %arg4[%get3A_439] {strides = array<i32>} : memref<32768xf32, #tpu.memory_space<vmem>>, vector<16xf32>,
      %max3A_441 = arith.maximumf %scan3A_330, %get3A_440 : vector<16xf32>
      %min3A_442 = arith.minimumf %scan3A_330, %get3A_440 : vector<16xf32>
      %max3A_443 = arith.maximumf %scan3A_331, %min3A_442 : vector<16xf32>
      %min3A_444 = arith.minimumf %scan3A_331, %min3A_442 : vector<16xf32>
      %max3A_445 = arith.maximumf %scan3A_332, %min3A_444 : vector<16xf32>
      %mul3A_446 = arith.constant 8 : i32
      %mul3A_447 = arith.muli %scan3A_311, %mul3A_446 : i32
      %add3A_448 = arith.constant 7 : i32
      %add3A_449 = arith.addi %mul3A_447, %add3A_448 : i32
      %mul3A_450 = arith.constant 16 : i32
      %mul3A_451 = arith.muli %add3A_449, %mul3A_450 : i32
      %add3A_452 = arith.constant 0 : i32
      %add3A_453 = arith.addi %add3A_452, %mul3A_451 : i32
      %multiple_of3A_454 = tpu.assume_multiple %add3A_453, 16 : i32
      %get3A_455 = arith.index_cast %multiple_of3A_454 : i32 to index
      %get3A_456 = tpu.vector_load %arg4[%get3A_455] {strides = array<i32>} : memref<32768xf32, #tpu.memory_space<vmem>>, vector<16xf32>,
      %max3A_457 = arith.maximumf %scan3A_333, %get3A_456 : vector<16xf32>
      %min3A_458 = arith.minimumf %scan3A_333, %get3A_456 : vector<16xf32>
      %max3A_459 = arith.maximumf %scan3A_334, %min3A_458 : vector<16xf32>
      %min3A_460 = arith.minimumf %scan3A_334, %min3A_458 : vector<16xf32>
      %max3A_461 = arith.maximumf %scan3A_335, %min3A_460 : vector<16xf32>
      scf.yield %max3A_345, %max3A_347, %max3A_349, %max3A_361, %max3A_363, %max3A_365, %max3A_377, %max3A_379, %max3A_381, %max3A_393, %max3A_395, %max3A_397, %max3A_409, %max3A_411, %max3A_413, %max3A_425, %max3A_427, %max3A_429, %max3A_441, %max3A_443, %max3A_445, %max3A_457, %max3A_459, %max3A_461 : vector<16xf32>, vector<16xf32>, vector<16xf32>, vector<16xf32>, vector<16xf32>, vector<16xf32>, vector<16xf32>, vector<16xf32>, vector<16xf32>, vector<16xf32>, vector<16xf32>, vector<16xf32>, vector<16xf32>, vector<16xf32>, vector<16xf32>, vector<16xf32>, vector<16xf32>, vector<16xf32>, vector<16xf32>, vector<16xf32>, vector<16xf32>, vector<16xf32>, vector<16xf32>, vector<16xf32>
    }
    %scan3A_66 = arith.constant 64 : i32
    %dma_wait3A_67 = arith.constant 8192 : i32
    %dma_wait3A_68 = tpu.memref_slice %arg4[%dma_wait3A_67] : memref<32768xf32, #tpu.memory_space<vmem>> -> memref<8192xf32, #tpu.memory_space<vmem>>
    %dma_wait3A_69 = arith.constant 8192 : i32
    %dma_wait3A_70 = tpu.memref_slice %arg2[%mul3A_2, %dma_wait3A_69] : memref<128x32768xf32, #tpu.memory_space<hbm>> -> memref<1x8192xf32, #tpu.memory_space<hbm>>
    %dma_wait3A_71 = tpu.memref_squeeze %dma_wait3A_70 : memref<1x8192xf32, #tpu.memory_space<hbm>> -> memref<8192xf32, #tpu.memory_space<hbm>>
    %dma_wait3A_72 = arith.constant 8192 : i32
    %dma_wait3A_73 = tpu.memref_slice %arg4[%dma_wait3A_72] : memref<32768xf32, #tpu.memory_space<vmem>> -> memref<8192xf32, #tpu.memory_space<vmem>>
    %dma_wait3A_74 = arith.constant 8192 : i32
    %dma_wait3A_75 = tpu.memref_slice %arg2[%mul3A_2, %dma_wait3A_74] : memref<128x32768xf32, #tpu.memory_space<hbm>> -> memref<1x8192xf32, #tpu.memory_space<hbm>>
    %dma_wait3A_76 = tpu.memref_squeeze %dma_wait3A_75 : memref<1x8192xf32, #tpu.memory_space<hbm>> -> memref<8192xf32, #tpu.memory_space<hbm>>
    tpu.wait_dma2 semaphore(%arg10 : memref<!tpu.dma_semaphore, #tpu.memory_space<semaphore_mem>>) src(%dma_wait3A_76 : memref<8192xf32, #tpu.memory_space<hbm>>) dst(%dma_wait3A_73 : memref<8192xf32, #tpu.memory_space<vmem>>)
    %scan3A_77 = arith.constant 0 : i32
    %scan3A_78 = arith.constant 64 : i32
    %scan3A_79 = arith.addi %scan3A_77, %scan3A_78 : i32
    %scan3A_80 = arith.constant 1 : i32
    %scan3A_81:24 = scf.for %scan3A_311 = %scan3A_77 to %scan3A_79 step %scan3A_80 iter_args(%scan3A_312 = %scan3A_65#0, %scan3A_313 = %scan3A_65#1, %scan3A_314 = %scan3A_65#2, %scan3A_315 = %scan3A_65#3, %scan3A_316 = %scan3A_65#4, %scan3A_317 = %scan3A_65#5, %scan3A_318 = %scan3A_65#6, %scan3A_319 = %scan3A_65#7, %scan3A_320 = %scan3A_65#8, %scan3A_321 = %scan3A_65#9, %scan3A_322 = %scan3A_65#10, %scan3A_323 = %scan3A_65#11, %scan3A_324 = %scan3A_65#12, %scan3A_325 = %scan3A_65#13, %scan3A_326 = %scan3A_65#14, %scan3A_327 = %scan3A_65#15, %scan3A_328 = %scan3A_65#16, %scan3A_329 = %scan3A_65#17, %scan3A_330 = %scan3A_65#18, %scan3A_331 = %scan3A_65#19, %scan3A_332 = %scan3A_65#20, %scan3A_333 = %scan3A_65#21, %scan3A_334 = %scan3A_65#22, %scan3A_335 = %scan3A_65#23) -> (vector<16xf32>, vector<16xf32>, vector<16xf32>, vector<16xf32>, vector<16xf32>, vector<16xf32>, vector<16xf32>, vector<16xf32>, vector<16xf32>, vector<16xf32>, vector<16xf32>, vector<16xf32>, vector<16xf32>, vector<16xf32>, vector<16xf32>, vector<16xf32>, vector<16xf32>, vector<16xf32>, vector<16xf32>, vector<16xf32>, vector<16xf32>, vector<16xf32>, vector<16xf32>, vector<16xf32>)  : i32 {
      %mul3A_336 = arith.constant 8 : i32
      %mul3A_337 = arith.muli %scan3A_311, %mul3A_336 : i32
      %add3A_338 = arith.constant 0 : i32
      %add3A_339 = arith.addi %mul3A_337, %add3A_338 : i32
      %mul3A_340 = arith.constant 16 : i32
      %mul3A_341 = arith.muli %add3A_339, %mul3A_340 : i32
      %add3A_342 = arith.constant 8192 : i32
      %add3A_343 = arith.addi %add3A_342, %mul3A_341 : i32
      %multiple_of3A = tpu.assume_multiple %add3A_343, 16 : i32
      %get3A = arith.index_cast %multiple_of3A : i32 to index
      %get3A_344 = tpu.vector_load %arg4[%get3A] {strides = array<i32>} : memref<32768xf32, #tpu.memory_space<vmem>>, vector<16xf32>,
      %max3A_345 = arith.maximumf %scan3A_312, %get3A_344 : vector<16xf32>
      %min3A_346 = arith.minimumf %scan3A_312, %get3A_344 : vector<16xf32>
      %max3A_347 = arith.maximumf %scan3A_313, %min3A_346 : vector<16xf32>
      %min3A_348 = arith.minimumf %scan3A_313, %min3A_346 : vector<16xf32>
      %max3A_349 = arith.maximumf %scan3A_314, %min3A_348 : vector<16xf32>
      %mul3A_350 = arith.constant 8 : i32
      %mul3A_351 = arith.muli %scan3A_311, %mul3A_350 : i32
      %add3A_352 = arith.constant 1 : i32
      %add3A_353 = arith.addi %mul3A_351, %add3A_352 : i32
      %mul3A_354 = arith.constant 16 : i32
      %mul3A_355 = arith.muli %add3A_353, %mul3A_354 : i32
      %add3A_356 = arith.constant 8192 : i32
      %add3A_357 = arith.addi %add3A_356, %mul3A_355 : i32
      %multiple_of3A_358 = tpu.assume_multiple %add3A_357, 16 : i32
      %get3A_359 = arith.index_cast %multiple_of3A_358 : i32 to index
      %get3A_360 = tpu.vector_load %arg4[%get3A_359] {strides = array<i32>} : memref<32768xf32, #tpu.memory_space<vmem>>, vector<16xf32>,
      %max3A_361 = arith.maximumf %scan3A_315, %get3A_360 : vector<16xf32>
      %min3A_362 = arith.minimumf %scan3A_315, %get3A_360 : vector<16xf32>
      %max3A_363 = arith.maximumf %scan3A_316, %min3A_362 : vector<16xf32>
      %min3A_364 = arith.minimumf %scan3A_316, %min3A_362 : vector<16xf32>
      %max3A_365 = arith.maximumf %scan3A_317, %min3A_364 : vector<16xf32>
      %mul3A_366 = arith.constant 8 : i32
      %mul3A_367 = arith.muli %scan3A_311, %mul3A_366 : i32
      %add3A_368 = arith.constant 2 : i32
      %add3A_369 = arith.addi %mul3A_367, %add3A_368 : i32
      %mul3A_370 = arith.constant 16 : i32
      %mul3A_371 = arith.muli %add3A_369, %mul3A_370 : i32
      %add3A_372 = arith.constant 8192 : i32
      %add3A_373 = arith.addi %add3A_372, %mul3A_371 : i32
      %multiple_of3A_374 = tpu.assume_multiple %add3A_373, 16 : i32
      %get3A_375 = arith.index_cast %multiple_of3A_374 : i32 to index
      %get3A_376 = tpu.vector_load %arg4[%get3A_375] {strides = array<i32>} : memref<32768xf32, #tpu.memory_space<vmem>>, vector<16xf32>,
      %max3A_377 = arith.maximumf %scan3A_318, %get3A_376 : vector<16xf32>
      %min3A_378 = arith.minimumf %scan3A_318, %get3A_376 : vector<16xf32>
      %max3A_379 = arith.maximumf %scan3A_319, %min3A_378 : vector<16xf32>
      %min3A_380 = arith.minimumf %scan3A_319, %min3A_378 : vector<16xf32>
      %max3A_381 = arith.maximumf %scan3A_320, %min3A_380 : vector<16xf32>
      %mul3A_382 = arith.constant 8 : i32
      %mul3A_383 = arith.muli %scan3A_311, %mul3A_382 : i32
      %add3A_384 = arith.constant 3 : i32
      %add3A_385 = arith.addi %mul3A_383, %add3A_384 : i32
      %mul3A_386 = arith.constant 16 : i32
      %mul3A_387 = arith.muli %add3A_385, %mul3A_386 : i32
      %add3A_388 = arith.constant 8192 : i32
      %add3A_389 = arith.addi %add3A_388, %mul3A_387 : i32
      %multiple_of3A_390 = tpu.assume_multiple %add3A_389, 16 : i32
      %get3A_391 = arith.index_cast %multiple_of3A_390 : i32 to index
      %get3A_392 = tpu.vector_load %arg4[%get3A_391] {strides = array<i32>} : memref<32768xf32, #tpu.memory_space<vmem>>, vector<16xf32>,
      %max3A_393 = arith.maximumf %scan3A_321, %get3A_392 : vector<16xf32>
      %min3A_394 = arith.minimumf %scan3A_321, %get3A_392 : vector<16xf32>
      %max3A_395 = arith.maximumf %scan3A_322, %min3A_394 : vector<16xf32>
      %min3A_396 = arith.minimumf %scan3A_322, %min3A_394 : vector<16xf32>
      %max3A_397 = arith.maximumf %scan3A_323, %min3A_396 : vector<16xf32>
      %mul3A_398 = arith.constant 8 : i32
      %mul3A_399 = arith.muli %scan3A_311, %mul3A_398 : i32
      %add3A_400 = arith.constant 4 : i32
      %add3A_401 = arith.addi %mul3A_399, %add3A_400 : i32
      %mul3A_402 = arith.constant 16 : i32
      %mul3A_403 = arith.muli %add3A_401, %mul3A_402 : i32
      %add3A_404 = arith.constant 8192 : i32
      %add3A_405 = arith.addi %add3A_404, %mul3A_403 : i32
      %multiple_of3A_406 = tpu.assume_multiple %add3A_405, 16 : i32
      %get3A_407 = arith.index_cast %multiple_of3A_406 : i32 to index
      %get3A_408 = tpu.vector_load %arg4[%get3A_407] {strides = array<i32>} : memref<32768xf32, #tpu.memory_space<vmem>>, vector<16xf32>,
      %max3A_409 = arith.maximumf %scan3A_324, %get3A_408 : vector<16xf32>
      %min3A_410 = arith.minimumf %scan3A_324, %get3A_408 : vector<16xf32>
      %max3A_411 = arith.maximumf %scan3A_325, %min3A_410 : vector<16xf32>
      %min3A_412 = arith.minimumf %scan3A_325, %min3A_410 : vector<16xf32>
      %max3A_413 = arith.maximumf %scan3A_326, %min3A_412 : vector<16xf32>
      %mul3A_414 = arith.constant 8 : i32
      %mul3A_415 = arith.muli %scan3A_311, %mul3A_414 : i32
      %add3A_416 = arith.constant 5 : i32
      %add3A_417 = arith.addi %mul3A_415, %add3A_416 : i32
      %mul3A_418 = arith.constant 16 : i32
      %mul3A_419 = arith.muli %add3A_417, %mul3A_418 : i32
      %add3A_420 = arith.constant 8192 : i32
      %add3A_421 = arith.addi %add3A_420, %mul3A_419 : i32
      %multiple_of3A_422 = tpu.assume_multiple %add3A_421, 16 : i32
      %get3A_423 = arith.index_cast %multiple_of3A_422 : i32 to index
      %get3A_424 = tpu.vector_load %arg4[%get3A_423] {strides = array<i32>} : memref<32768xf32, #tpu.memory_space<vmem>>, vector<16xf32>,
      %max3A_425 = arith.maximumf %scan3A_327, %get3A_424 : vector<16xf32>
      %min3A_426 = arith.minimumf %scan3A_327, %get3A_424 : vector<16xf32>
      %max3A_427 = arith.maximumf %scan3A_328, %min3A_426 : vector<16xf32>
      %min3A_428 = arith.minimumf %scan3A_328, %min3A_426 : vector<16xf32>
      %max3A_429 = arith.maximumf %scan3A_329, %min3A_428 : vector<16xf32>
      %mul3A_430 = arith.constant 8 : i32
      %mul3A_431 = arith.muli %scan3A_311, %mul3A_430 : i32
      %add3A_432 = arith.constant 6 : i32
      %add3A_433 = arith.addi %mul3A_431, %add3A_432 : i32
      %mul3A_434 = arith.constant 16 : i32
      %mul3A_435 = arith.muli %add3A_433, %mul3A_434 : i32
      %add3A_436 = arith.constant 8192 : i32
      %add3A_437 = arith.addi %add3A_436, %mul3A_435 : i32
      %multiple_of3A_438 = tpu.assume_multiple %add3A_437, 16 : i32
      %get3A_439 = arith.index_cast %multiple_of3A_438 : i32 to index
      %get3A_440 = tpu.vector_load %arg4[%get3A_439] {strides = array<i32>} : memref<32768xf32, #tpu.memory_space<vmem>>, vector<16xf32>,
      %max3A_441 = arith.maximumf %scan3A_330, %get3A_440 : vector<16xf32>
      %min3A_442 = arith.minimumf %scan3A_330, %get3A_440 : vector<16xf32>
      %max3A_443 = arith.maximumf %scan3A_331, %min3A_442 : vector<16xf32>
      %min3A_444 = arith.minimumf %scan3A_331, %min3A_442 : vector<16xf32>
      %max3A_445 = arith.maximumf %scan3A_332, %min3A_444 : vector<16xf32>
      %mul3A_446 = arith.constant 8 : i32
      %mul3A_447 = arith.muli %scan3A_311, %mul3A_446 : i32
      %add3A_448 = arith.constant 7 : i32
      %add3A_449 = arith.addi %mul3A_447, %add3A_448 : i32
      %mul3A_450 = arith.constant 16 : i32
      %mul3A_451 = arith.muli %add3A_449, %mul3A_450 : i32
      %add3A_452 = arith.constant 8192 : i32
      %add3A_453 = arith.addi %add3A_452, %mul3A_451 : i32
      %multiple_of3A_454 = tpu.assume_multiple %add3A_453, 16 : i32
      %get3A_455 = arith.index_cast %multiple_of3A_454 : i32 to index
      %get3A_456 = tpu.vector_load %arg4[%get3A_455] {strides = array<i32>} : memref<32768xf32, #tpu.memory_space<vmem>>, vector<16xf32>,
      %max3A_457 = arith.maximumf %scan3A_333, %get3A_456 : vector<16xf32>
      %min3A_458 = arith.minimumf %scan3A_333, %get3A_456 : vector<16xf32>
      %max3A_459 = arith.maximumf %scan3A_334, %min3A_458 : vector<16xf32>
      %min3A_460 = arith.minimumf %scan3A_334, %min3A_458 : vector<16xf32>
      %max3A_461 = arith.maximumf %scan3A_335, %min3A_460 : vector<16xf32>
      scf.yield %max3A_345, %max3A_347, %max3A_349, %max3A_361, %max3A_363, %max3A_365, %max3A_377, %max3A_379, %max3A_381, %max3A_393, %max3A_395, %max3A_397, %max3A_409, %max3A_411, %max3A_413, %max3A_425, %max3A_427, %max3A_429, %max3A_441, %max3A_443, %max3A_445, %max3A_457, %max3A_459, %max3A_461 : vector<16xf32>, vector<16xf32>, vector<16xf32>, vector<16xf32>, vector<16xf32>, vector<16xf32>, vector<16xf32>, vector<16xf32>, vector<16xf32>, vector<16xf32>, vector<16xf32>, vector<16xf32>, vector<16xf32>, vector<16xf32>, vector<16xf32>, vector<16xf32>, vector<16xf32>, vector<16xf32>, vector<16xf32>, vector<16xf32>, vector<16xf32>, vector<16xf32>, vector<16xf32>, vector<16xf32>
    }
    %scan3A_82 = arith.constant 64 : i32
    %dma_wait3A_83 = arith.constant 16384 : i32
    %dma_wait3A_84 = tpu.memref_slice %arg4[%dma_wait3A_83] : memref<32768xf32, #tpu.memory_space<vmem>> -> memref<8192xf32, #tpu.memory_space<vmem>>
    %dma_wait3A_85 = arith.constant 16384 : i32
    %dma_wait3A_86 = tpu.memref_slice %arg2[%mul3A_2, %dma_wait3A_85] : memref<128x32768xf32, #tpu.memory_space<hbm>> -> memref<1x8192xf32, #tpu.memory_space<hbm>>
    %dma_wait3A_87 = tpu.memref_squeeze %dma_wait3A_86 : memref<1x8192xf32, #tpu.memory_space<hbm>> -> memref<8192xf32, #tpu.memory_space<hbm>>
    %dma_wait3A_88 = arith.constant 16384 : i32
    %dma_wait3A_89 = tpu.memref_slice %arg4[%dma_wait3A_88] : memref<32768xf32, #tpu.memory_space<vmem>> -> memref<8192xf32, #tpu.memory_space<vmem>>
    %dma_wait3A_90 = arith.constant 16384 : i32
    %dma_wait3A_91 = tpu.memref_slice %arg2[%mul3A_2, %dma_wait3A_90] : memref<128x32768xf32, #tpu.memory_space<hbm>> -> memref<1x8192xf32, #tpu.memory_space<hbm>>
    %dma_wait3A_92 = tpu.memref_squeeze %dma_wait3A_91 : memref<1x8192xf32, #tpu.memory_space<hbm>> -> memref<8192xf32, #tpu.memory_space<hbm>>
    tpu.wait_dma2 semaphore(%arg11 : memref<!tpu.dma_semaphore, #tpu.memory_space<semaphore_mem>>) src(%dma_wait3A_92 : memref<8192xf32, #tpu.memory_space<hbm>>) dst(%dma_wait3A_89 : memref<8192xf32, #tpu.memory_space<vmem>>)
    %scan3A_93 = arith.constant 0 : i32
    %scan3A_94 = arith.constant 64 : i32
    %scan3A_95 = arith.addi %scan3A_93, %scan3A_94 : i32
    %scan3A_96 = arith.constant 1 : i32
    %scan3A_97:24 = scf.for %scan3A_311 = %scan3A_93 to %scan3A_95 step %scan3A_96 iter_args(%scan3A_312 = %scan3A_81#0, %scan3A_313 = %scan3A_81#1, %scan3A_314 = %scan3A_81#2, %scan3A_315 = %scan3A_81#3, %scan3A_316 = %scan3A_81#4, %scan3A_317 = %scan3A_81#5, %scan3A_318 = %scan3A_81#6, %scan3A_319 = %scan3A_81#7, %scan3A_320 = %scan3A_81#8, %scan3A_321 = %scan3A_81#9, %scan3A_322 = %scan3A_81#10, %scan3A_323 = %scan3A_81#11, %scan3A_324 = %scan3A_81#12, %scan3A_325 = %scan3A_81#13, %scan3A_326 = %scan3A_81#14, %scan3A_327 = %scan3A_81#15, %scan3A_328 = %scan3A_81#16, %scan3A_329 = %scan3A_81#17, %scan3A_330 = %scan3A_81#18, %scan3A_331 = %scan3A_81#19, %scan3A_332 = %scan3A_81#20, %scan3A_333 = %scan3A_81#21, %scan3A_334 = %scan3A_81#22, %scan3A_335 = %scan3A_81#23) -> (vector<16xf32>, vector<16xf32>, vector<16xf32>, vector<16xf32>, vector<16xf32>, vector<16xf32>, vector<16xf32>, vector<16xf32>, vector<16xf32>, vector<16xf32>, vector<16xf32>, vector<16xf32>, vector<16xf32>, vector<16xf32>, vector<16xf32>, vector<16xf32>, vector<16xf32>, vector<16xf32>, vector<16xf32>, vector<16xf32>, vector<16xf32>, vector<16xf32>, vector<16xf32>, vector<16xf32>)  : i32 {
      %mul3A_336 = arith.constant 8 : i32
      %mul3A_337 = arith.muli %scan3A_311, %mul3A_336 : i32
      %add3A_338 = arith.constant 0 : i32
      %add3A_339 = arith.addi %mul3A_337, %add3A_338 : i32
      %mul3A_340 = arith.constant 16 : i32
      %mul3A_341 = arith.muli %add3A_339, %mul3A_340 : i32
      %add3A_342 = arith.constant 16384 : i32
      %add3A_343 = arith.addi %add3A_342, %mul3A_341 : i32
      %multiple_of3A = tpu.assume_multiple %add3A_343, 16 : i32
      %get3A = arith.index_cast %multiple_of3A : i32 to index
      %get3A_344 = tpu.vector_load %arg4[%get3A] {strides = array<i32>} : memref<32768xf32, #tpu.memory_space<vmem>>, vector<16xf32>,
      %max3A_345 = arith.maximumf %scan3A_312, %get3A_344 : vector<16xf32>
      %min3A_346 = arith.minimumf %scan3A_312, %get3A_344 : vector<16xf32>
      %max3A_347 = arith.maximumf %scan3A_313, %min3A_346 : vector<16xf32>
      %min3A_348 = arith.minimumf %scan3A_313, %min3A_346 : vector<16xf32>
      %max3A_349 = arith.maximumf %scan3A_314, %min3A_348 : vector<16xf32>
      %mul3A_350 = arith.constant 8 : i32
      %mul3A_351 = arith.muli %scan3A_311, %mul3A_350 : i32
      %add3A_352 = arith.constant 1 : i32
      %add3A_353 = arith.addi %mul3A_351, %add3A_352 : i32
      %mul3A_354 = arith.constant 16 : i32
      %mul3A_355 = arith.muli %add3A_353, %mul3A_354 : i32
      %add3A_356 = arith.constant 16384 : i32
      %add3A_357 = arith.addi %add3A_356, %mul3A_355 : i32
      %multiple_of3A_358 = tpu.assume_multiple %add3A_357, 16 : i32
      %get3A_359 = arith.index_cast %multiple_of3A_358 : i32 to index
      %get3A_360 = tpu.vector_load %arg4[%get3A_359] {strides = array<i32>} : memref<32768xf32, #tpu.memory_space<vmem>>, vector<16xf32>,
      %max3A_361 = arith.maximumf %scan3A_315, %get3A_360 : vector<16xf32>
      %min3A_362 = arith.minimumf %scan3A_315, %get3A_360 : vector<16xf32>
      %max3A_363 = arith.maximumf %scan3A_316, %min3A_362 : vector<16xf32>
      %min3A_364 = arith.minimumf %scan3A_316, %min3A_362 : vector<16xf32>
      %max3A_365 = arith.maximumf %scan3A_317, %min3A_364 : vector<16xf32>
      %mul3A_366 = arith.constant 8 : i32
      %mul3A_367 = arith.muli %scan3A_311, %mul3A_366 : i32
      %add3A_368 = arith.constant 2 : i32
      %add3A_369 = arith.addi %mul3A_367, %add3A_368 : i32
      %mul3A_370 = arith.constant 16 : i32
      %mul3A_371 = arith.muli %add3A_369, %mul3A_370 : i32
      %add3A_372 = arith.constant 16384 : i32
      %add3A_373 = arith.addi %add3A_372, %mul3A_371 : i32
      %multiple_of3A_374 = tpu.assume_multiple %add3A_373, 16 : i32
      %get3A_375 = arith.index_cast %multiple_of3A_374 : i32 to index
      %get3A_376 = tpu.vector_load %arg4[%get3A_375] {strides = array<i32>} : memref<32768xf32, #tpu.memory_space<vmem>>, vector<16xf32>,
      %max3A_377 = arith.maximumf %scan3A_318, %get3A_376 : vector<16xf32>
      %min3A_378 = arith.minimumf %scan3A_318, %get3A_376 : vector<16xf32>
      %max3A_379 = arith.maximumf %scan3A_319, %min3A_378 : vector<16xf32>
      %min3A_380 = arith.minimumf %scan3A_319, %min3A_378 : vector<16xf32>
      %max3A_381 = arith.maximumf %scan3A_320, %min3A_380 : vector<16xf32>
      %mul3A_382 = arith.constant 8 : i32
      %mul3A_383 = arith.muli %scan3A_311, %mul3A_382 : i32
      %add3A_384 = arith.constant 3 : i32
      %add3A_385 = arith.addi %mul3A_383, %add3A_384 : i32
      %mul3A_386 = arith.constant 16 : i32
      %mul3A_387 = arith.muli %add3A_385, %mul3A_386 : i32
      %add3A_388 = arith.constant 16384 : i32
      %add3A_389 = arith.addi %add3A_388, %mul3A_387 : i32
      %multiple_of3A_390 = tpu.assume_multiple %add3A_389, 16 : i32
      %get3A_391 = arith.index_cast %multiple_of3A_390 : i32 to index
      %get3A_392 = tpu.vector_load %arg4[%get3A_391] {strides = array<i32>} : memref<32768xf32, #tpu.memory_space<vmem>>, vector<16xf32>,
      %max3A_393 = arith.maximumf %scan3A_321, %get3A_392 : vector<16xf32>
      %min3A_394 = arith.minimumf %scan3A_321, %get3A_392 : vector<16xf32>
      %max3A_395 = arith.maximumf %scan3A_322, %min3A_394 : vector<16xf32>
      %min3A_396 = arith.minimumf %scan3A_322, %min3A_394 : vector<16xf32>
      %max3A_397 = arith.maximumf %scan3A_323, %min3A_396 : vector<16xf32>
      %mul3A_398 = arith.constant 8 : i32
      %mul3A_399 = arith.muli %scan3A_311, %mul3A_398 : i32
      %add3A_400 = arith.constant 4 : i32
      %add3A_401 = arith.addi %mul3A_399, %add3A_400 : i32
      %mul3A_402 = arith.constant 16 : i32
      %mul3A_403 = arith.muli %add3A_401, %mul3A_402 : i32
      %add3A_404 = arith.constant 16384 : i32
      %add3A_405 = arith.addi %add3A_404, %mul3A_403 : i32
      %multiple_of3A_406 = tpu.assume_multiple %add3A_405, 16 : i32
      %get3A_407 = arith.index_cast %multiple_of3A_406 : i32 to index
      %get3A_408 = tpu.vector_load %arg4[%get3A_407] {strides = array<i32>} : memref<32768xf32, #tpu.memory_space<vmem>>, vector<16xf32>,
      %max3A_409 = arith.maximumf %scan3A_324, %get3A_408 : vector<16xf32>
      %min3A_410 = arith.minimumf %scan3A_324, %get3A_408 : vector<16xf32>
      %max3A_411 = arith.maximumf %scan3A_325, %min3A_410 : vector<16xf32>
      %min3A_412 = arith.minimumf %scan3A_325, %min3A_410 : vector<16xf32>
      %max3A_413 = arith.maximumf %scan3A_326, %min3A_412 : vector<16xf32>
      %mul3A_414 = arith.constant 8 : i32
      %mul3A_415 = arith.muli %scan3A_311, %mul3A_414 : i32
      %add3A_416 = arith.constant 5 : i32
      %add3A_417 = arith.addi %mul3A_415, %add3A_416 : i32
      %mul3A_418 = arith.constant 16 : i32
      %mul3A_419 = arith.muli %add3A_417, %mul3A_418 : i32
      %add3A_420 = arith.constant 16384 : i32
      %add3A_421 = arith.addi %add3A_420, %mul3A_419 : i32
      %multiple_of3A_422 = tpu.assume_multiple %add3A_421, 16 : i32
      %get3A_423 = arith.index_cast %multiple_of3A_422 : i32 to index
      %get3A_424 = tpu.vector_load %arg4[%get3A_423] {strides = array<i32>} : memref<32768xf32, #tpu.memory_space<vmem>>, vector<16xf32>,
      %max3A_425 = arith.maximumf %scan3A_327, %get3A_424 : vector<16xf32>
      %min3A_426 = arith.minimumf %scan3A_327, %get3A_424 : vector<16xf32>
      %max3A_427 = arith.maximumf %scan3A_328, %min3A_426 : vector<16xf32>
      %min3A_428 = arith.minimumf %scan3A_328, %min3A_426 : vector<16xf32>
      %max3A_429 = arith.maximumf %scan3A_329, %min3A_428 : vector<16xf32>
      %mul3A_430 = arith.constant 8 : i32
      %mul3A_431 = arith.muli %scan3A_311, %mul3A_430 : i32
      %add3A_432 = arith.constant 6 : i32
      %add3A_433 = arith.addi %mul3A_431, %add3A_432 : i32
      %mul3A_434 = arith.constant 16 : i32
      %mul3A_435 = arith.muli %add3A_433, %mul3A_434 : i32
      %add3A_436 = arith.constant 16384 : i32
      %add3A_437 = arith.addi %add3A_436, %mul3A_435 : i32
      %multiple_of3A_438 = tpu.assume_multiple %add3A_437, 16 : i32
      %get3A_439 = arith.index_cast %multiple_of3A_438 : i32 to index
      %get3A_440 = tpu.vector_load %arg4[%get3A_439] {strides = array<i32>} : memref<32768xf32, #tpu.memory_space<vmem>>, vector<16xf32>,
      %max3A_441 = arith.maximumf %scan3A_330, %get3A_440 : vector<16xf32>
      %min3A_442 = arith.minimumf %scan3A_330, %get3A_440 : vector<16xf32>
      %max3A_443 = arith.maximumf %scan3A_331, %min3A_442 : vector<16xf32>
      %min3A_444 = arith.minimumf %scan3A_331, %min3A_442 : vector<16xf32>
      %max3A_445 = arith.maximumf %scan3A_332, %min3A_444 : vector<16xf32>
      %mul3A_446 = arith.constant 8 : i32
      %mul3A_447 = arith.muli %scan3A_311, %mul3A_446 : i32
      %add3A_448 = arith.constant 7 : i32
      %add3A_449 = arith.addi %mul3A_447, %add3A_448 : i32
      %mul3A_450 = arith.constant 16 : i32
      %mul3A_451 = arith.muli %add3A_449, %mul3A_450 : i32
      %add3A_452 = arith.constant 16384 : i32
      %add3A_453 = arith.addi %add3A_452, %mul3A_451 : i32
      %multiple_of3A_454 = tpu.assume_multiple %add3A_453, 16 : i32
      %get3A_455 = arith.index_cast %multiple_of3A_454 : i32 to index
      %get3A_456 = tpu.vector_load %arg4[%get3A_455] {strides = array<i32>} : memref<32768xf32, #tpu.memory_space<vmem>>, vector<16xf32>,
      %max3A_457 = arith.maximumf %scan3A_333, %get3A_456 : vector<16xf32>
      %min3A_458 = arith.minimumf %scan3A_333, %get3A_456 : vector<16xf32>
      %max3A_459 = arith.maximumf %scan3A_334, %min3A_458 : vector<16xf32>
      %min3A_460 = arith.minimumf %scan3A_334, %min3A_458 : vector<16xf32>
      %max3A_461 = arith.maximumf %scan3A_335, %min3A_460 : vector<16xf32>
      scf.yield %max3A_345, %max3A_347, %max3A_349, %max3A_361, %max3A_363, %max3A_365, %max3A_377, %max3A_379, %max3A_381, %max3A_393, %max3A_395, %max3A_397, %max3A_409, %max3A_411, %max3A_413, %max3A_425, %max3A_427, %max3A_429, %max3A_441, %max3A_443, %max3A_445, %max3A_457, %max3A_459, %max3A_461 : vector<16xf32>, vector<16xf32>, vector<16xf32>, vector<16xf32>, vector<16xf32>, vector<16xf32>, vector<16xf32>, vector<16xf32>, vector<16xf32>, vector<16xf32>, vector<16xf32>, vector<16xf32>, vector<16xf32>, vector<16xf32>, vector<16xf32>, vector<16xf32>, vector<16xf32>, vector<16xf32>, vector<16xf32>, vector<16xf32>, vector<16xf32>, vector<16xf32>, vector<16xf32>, vector<16xf32>
    }
    %scan3A_98 = arith.constant 64 : i32
    %dma_wait3A_99 = arith.constant 24576 : i32
    %dma_wait3A_100 = tpu.memref_slice %arg4[%dma_wait3A_99] : memref<32768xf32, #tpu.memory_space<vmem>> -> memref<8192xf32, #tpu.memory_space<vmem>>
    %dma_wait3A_101 = arith.constant 24576 : i32
    %dma_wait3A_102 = tpu.memref_slice %arg2[%mul3A_2, %dma_wait3A_101] : memref<128x32768xf32, #tpu.memory_space<hbm>> -> memref<1x8192xf32, #tpu.memory_space<hbm>>
    %dma_wait3A_103 = tpu.memref_squeeze %dma_wait3A_102 : memref<1x8192xf32, #tpu.memory_space<hbm>> -> memref<8192xf32, #tpu.memory_space<hbm>>
    %dma_wait3A_104 = arith.constant 24576 : i32
    %dma_wait3A_105 = tpu.memref_slice %arg4[%dma_wait3A_104] : memref<32768xf32, #tpu.memory_space<vmem>> -> memref<8192xf32, #tpu.memory_space<vmem>>
    %dma_wait3A_106 = arith.constant 24576 : i32
    %dma_wait3A_107 = tpu.memref_slice %arg2[%mul3A_2, %dma_wait3A_106] : memref<128x32768xf32, #tpu.memory_space<hbm>> -> memref<1x8192xf32, #tpu.memory_space<hbm>>
    %dma_wait3A_108 = tpu.memref_squeeze %dma_wait3A_107 : memref<1x8192xf32, #tpu.memory_space<hbm>> -> memref<8192xf32, #tpu.memory_space<hbm>>
    tpu.wait_dma2 semaphore(%arg12 : memref<!tpu.dma_semaphore, #tpu.memory_space<semaphore_mem>>) src(%dma_wait3A_108 : memref<8192xf32, #tpu.memory_space<hbm>>) dst(%dma_wait3A_105 : memref<8192xf32, #tpu.memory_space<vmem>>)
    %scan3A_109 = arith.constant 0 : i32
    %scan3A_110 = arith.constant 64 : i32
    %scan3A_111 = arith.addi %scan3A_109, %scan3A_110 : i32
    %scan3A_112 = arith.constant 1 : i32
    %scan3A_113:24 = scf.for %scan3A_311 = %scan3A_109 to %scan3A_111 step %scan3A_112 iter_args(%scan3A_312 = %scan3A_97#0, %scan3A_313 = %scan3A_97#1, %scan3A_314 = %scan3A_97#2, %scan3A_315 = %scan3A_97#3, %scan3A_316 = %scan3A_97#4, %scan3A_317 = %scan3A_97#5, %scan3A_318 = %scan3A_97#6, %scan3A_319 = %scan3A_97#7, %scan3A_320 = %scan3A_97#8, %scan3A_321 = %scan3A_97#9, %scan3A_322 = %scan3A_97#10, %scan3A_323 = %scan3A_97#11, %scan3A_324 = %scan3A_97#12, %scan3A_325 = %scan3A_97#13, %scan3A_326 = %scan3A_97#14, %scan3A_327 = %scan3A_97#15, %scan3A_328 = %scan3A_97#16, %scan3A_329 = %scan3A_97#17, %scan3A_330 = %scan3A_97#18, %scan3A_331 = %scan3A_97#19, %scan3A_332 = %scan3A_97#20, %scan3A_333 = %scan3A_97#21, %scan3A_334 = %scan3A_97#22, %scan3A_335 = %scan3A_97#23) -> (vector<16xf32>, vector<16xf32>, vector<16xf32>, vector<16xf32>, vector<16xf32>, vector<16xf32>, vector<16xf32>, vector<16xf32>, vector<16xf32>, vector<16xf32>, vector<16xf32>, vector<16xf32>, vector<16xf32>, vector<16xf32>, vector<16xf32>, vector<16xf32>, vector<16xf32>, vector<16xf32>, vector<16xf32>, vector<16xf32>, vector<16xf32>, vector<16xf32>, vector<16xf32>, vector<16xf32>)  : i32 {
      %mul3A_336 = arith.constant 8 : i32
      %mul3A_337 = arith.muli %scan3A_311, %mul3A_336 : i32
      %add3A_338 = arith.constant 0 : i32
      %add3A_339 = arith.addi %mul3A_337, %add3A_338 : i32
      %mul3A_340 = arith.constant 16 : i32
      %mul3A_341 = arith.muli %add3A_339, %mul3A_340 : i32
      %add3A_342 = arith.constant 24576 : i32
      %add3A_343 = arith.addi %add3A_342, %mul3A_341 : i32
      %multiple_of3A = tpu.assume_multiple %add3A_343, 16 : i32
      %get3A = arith.index_cast %multiple_of3A : i32 to index
      %get3A_344 = tpu.vector_load %arg4[%get3A] {strides = array<i32>} : memref<32768xf32, #tpu.memory_space<vmem>>, vector<16xf32>,
      %max3A_345 = arith.maximumf %scan3A_312, %get3A_344 : vector<16xf32>
      %min3A_346 = arith.minimumf %scan3A_312, %get3A_344 : vector<16xf32>
      %max3A_347 = arith.maximumf %scan3A_313, %min3A_346 : vector<16xf32>
      %min3A_348 = arith.minimumf %scan3A_313, %min3A_346 : vector<16xf32>
      %max3A_349 = arith.maximumf %scan3A_314, %min3A_348 : vector<16xf32>
      %mul3A_350 = arith.constant 8 : i32
      %mul3A_351 = arith.muli %scan3A_311, %mul3A_350 : i32
      %add3A_352 = arith.constant 1 : i32
      %add3A_353 = arith.addi %mul3A_351, %add3A_352 : i32
      %mul3A_354 = arith.constant 16 : i32
      %mul3A_355 = arith.muli %add3A_353, %mul3A_354 : i32
      %add3A_356 = arith.constant 24576 : i32
      %add3A_357 = arith.addi %add3A_356, %mul3A_355 : i32
      %multiple_of3A_358 = tpu.assume_multiple %add3A_357, 16 : i32
      %get3A_359 = arith.index_cast %multiple_of3A_358 : i32 to index
      %get3A_360 = tpu.vector_load %arg4[%get3A_359] {strides = array<i32>} : memref<32768xf32, #tpu.memory_space<vmem>>, vector<16xf32>,
      %max3A_361 = arith.maximumf %scan3A_315, %get3A_360 : vector<16xf32>
      %min3A_362 = arith.minimumf %scan3A_315, %get3A_360 : vector<16xf32>
      %max3A_363 = arith.maximumf %scan3A_316, %min3A_362 : vector<16xf32>
      %min3A_364 = arith.minimumf %scan3A_316, %min3A_362 : vector<16xf32>
      %max3A_365 = arith.maximumf %scan3A_317, %min3A_364 : vector<16xf32>
      %mul3A_366 = arith.constant 8 : i32
      %mul3A_367 = arith.muli %scan3A_311, %mul3A_366 : i32
      %add3A_368 = arith.constant 2 : i32
      %add3A_369 = arith.addi %mul3A_367, %add3A_368 : i32
      %mul3A_370 = arith.constant 16 : i32
      %mul3A_371 = arith.muli %add3A_369, %mul3A_370 : i32
      %add3A_372 = arith.constant 24576 : i32
      %add3A_373 = arith.addi %add3A_372, %mul3A_371 : i32
      %multiple_of3A_374 = tpu.assume_multiple %add3A_373, 16 : i32
      %get3A_375 = arith.index_cast %multiple_of3A_374 : i32 to index
      %get3A_376 = tpu.vector_load %arg4[%get3A_375] {strides = array<i32>} : memref<32768xf32, #tpu.memory_space<vmem>>, vector<16xf32>,
      %max3A_377 = arith.maximumf %scan3A_318, %get3A_376 : vector<16xf32>
      %min3A_378 = arith.minimumf %scan3A_318, %get3A_376 : vector<16xf32>
      %max3A_379 = arith.maximumf %scan3A_319, %min3A_378 : vector<16xf32>
      %min3A_380 = arith.minimumf %scan3A_319, %min3A_378 : vector<16xf32>
      %max3A_381 = arith.maximumf %scan3A_320, %min3A_380 : vector<16xf32>
      %mul3A_382 = arith.constant 8 : i32
      %mul3A_383 = arith.muli %scan3A_311, %mul3A_382 : i32
      %add3A_384 = arith.constant 3 : i32
      %add3A_385 = arith.addi %mul3A_383, %add3A_384 : i32
      %mul3A_386 = arith.constant 16 : i32
      %mul3A_387 = arith.muli %add3A_385, %mul3A_386 : i32
      %add3A_388 = arith.constant 24576 : i32
      %add3A_389 = arith.addi %add3A_388, %mul3A_387 : i32
      %multiple_of3A_390 = tpu.assume_multiple %add3A_389, 16 : i32
      %get3A_391 = arith.index_cast %multiple_of3A_390 : i32 to index
      %get3A_392 = tpu.vector_load %arg4[%get3A_391] {strides = array<i32>} : memref<32768xf32, #tpu.memory_space<vmem>>, vector<16xf32>,
      %max3A_393 = arith.maximumf %scan3A_321, %get3A_392 : vector<16xf32>
      %min3A_394 = arith.minimumf %scan3A_321, %get3A_392 : vector<16xf32>
      %max3A_395 = arith.maximumf %scan3A_322, %min3A_394 : vector<16xf32>
      %min3A_396 = arith.minimumf %scan3A_322, %min3A_394 : vector<16xf32>
      %max3A_397 = arith.maximumf %scan3A_323, %min3A_396 : vector<16xf32>
      %mul3A_398 = arith.constant 8 : i32
      %mul3A_399 = arith.muli %scan3A_311, %mul3A_398 : i32
      %add3A_400 = arith.constant 4 : i32
      %add3A_401 = arith.addi %mul3A_399, %add3A_400 : i32
      %mul3A_402 = arith.constant 16 : i32
      %mul3A_403 = arith.muli %add3A_401, %mul3A_402 : i32
      %add3A_404 = arith.constant 24576 : i32
      %add3A_405 = arith.addi %add3A_404, %mul3A_403 : i32
      %multiple_of3A_406 = tpu.assume_multiple %add3A_405, 16 : i32
      %get3A_407 = arith.index_cast %multiple_of3A_406 : i32 to index
      %get3A_408 = tpu.vector_load %arg4[%get3A_407] {strides = array<i32>} : memref<32768xf32, #tpu.memory_space<vmem>>, vector<16xf32>,
      %max3A_409 = arith.maximumf %scan3A_324, %get3A_408 : vector<16xf32>
      %min3A_410 = arith.minimumf %scan3A_324, %get3A_408 : vector<16xf32>
      %max3A_411 = arith.maximumf %scan3A_325, %min3A_410 : vector<16xf32>
      %min3A_412 = arith.minimumf %scan3A_325, %min3A_410 : vector<16xf32>
      %max3A_413 = arith.maximumf %scan3A_326, %min3A_412 : vector<16xf32>
      %mul3A_414 = arith.constant 8 : i32
      %mul3A_415 = arith.muli %scan3A_311, %mul3A_414 : i32
      %add3A_416 = arith.constant 5 : i32
      %add3A_417 = arith.addi %mul3A_415, %add3A_416 : i32
      %mul3A_418 = arith.constant 16 : i32
      %mul3A_419 = arith.muli %add3A_417, %mul3A_418 : i32
      %add3A_420 = arith.constant 24576 : i32
      %add3A_421 = arith.addi %add3A_420, %mul3A_419 : i32
      %multiple_of3A_422 = tpu.assume_multiple %add3A_421, 16 : i32
      %get3A_423 = arith.index_cast %multiple_of3A_422 : i32 to index
      %get3A_424 = tpu.vector_load %arg4[%get3A_423] {strides = array<i32>} : memref<32768xf32, #tpu.memory_space<vmem>>, vector<16xf32>,
      %max3A_425 = arith.maximumf %scan3A_327, %get3A_424 : vector<16xf32>
      %min3A_426 = arith.minimumf %scan3A_327, %get3A_424 : vector<16xf32>
      %max3A_427 = arith.maximumf %scan3A_328, %min3A_426 : vector<16xf32>
      %min3A_428 = arith.minimumf %scan3A_328, %min3A_426 : vector<16xf32>
      %max3A_429 = arith.maximumf %scan3A_329, %min3A_428 : vector<16xf32>
      %mul3A_430 = arith.constant 8 : i32
      %mul3A_431 = arith.muli %scan3A_311, %mul3A_430 : i32
      %add3A_432 = arith.constant 6 : i32
      %add3A_433 = arith.addi %mul3A_431, %add3A_432 : i32
      %mul3A_434 = arith.constant 16 : i32
      %mul3A_435 = arith.muli %add3A_433, %mul3A_434 : i32
      %add3A_436 = arith.constant 24576 : i32
      %add3A_437 = arith.addi %add3A_436, %mul3A_435 : i32
      %multiple_of3A_438 = tpu.assume_multiple %add3A_437, 16 : i32
      %get3A_439 = arith.index_cast %multiple_of3A_438 : i32 to index
      %get3A_440 = tpu.vector_load %arg4[%get3A_439] {strides = array<i32>} : memref<32768xf32, #tpu.memory_space<vmem>>, vector<16xf32>,
      %max3A_441 = arith.maximumf %scan3A_330, %get3A_440 : vector<16xf32>
      %min3A_442 = arith.minimumf %scan3A_330, %get3A_440 : vector<16xf32>
      %max3A_443 = arith.maximumf %scan3A_331, %min3A_442 : vector<16xf32>
      %min3A_444 = arith.minimumf %scan3A_331, %min3A_442 : vector<16xf32>
      %max3A_445 = arith.maximumf %scan3A_332, %min3A_444 : vector<16xf32>
      %mul3A_446 = arith.constant 8 : i32
      %mul3A_447 = arith.muli %scan3A_311, %mul3A_446 : i32
      %add3A_448 = arith.constant 7 : i32
      %add3A_449 = arith.addi %mul3A_447, %add3A_448 : i32
      %mul3A_450 = arith.constant 16 : i32
      %mul3A_451 = arith.muli %add3A_449, %mul3A_450 : i32
      %add3A_452 = arith.constant 24576 : i32
      %add3A_453 = arith.addi %add3A_452, %mul3A_451 : i32
      %multiple_of3A_454 = tpu.assume_multiple %add3A_453, 16 : i32
      %get3A_455 = arith.index_cast %multiple_of3A_454 : i32 to index
      %get3A_456 = tpu.vector_load %arg4[%get3A_455] {strides = array<i32>} : memref<32768xf32, #tpu.memory_space<vmem>>, vector<16xf32>,
      %max3A_457 = arith.maximumf %scan3A_333, %get3A_456 : vector<16xf32>
      %min3A_458 = arith.minimumf %scan3A_333, %get3A_456 : vector<16xf32>
      %max3A_459 = arith.maximumf %scan3A_334, %min3A_458 : vector<16xf32>
      %min3A_460 = arith.minimumf %scan3A_334, %min3A_458 : vector<16xf32>
      %max3A_461 = arith.maximumf %scan3A_335, %min3A_460 : vector<16xf32>
      scf.yield %max3A_345, %max3A_347, %max3A_349, %max3A_361, %max3A_363, %max3A_365, %max3A_377, %max3A_379, %max3A_381, %max3A_393, %max3A_395, %max3A_397, %max3A_409, %max3A_411, %max3A_413, %max3A_425, %max3A_427, %max3A_429, %max3A_441, %max3A_443, %max3A_445, %max3A_457, %max3A_459, %max3A_461 : vector<16xf32>, vector<16xf32>, vector<16xf32>, vector<16xf32>, vector<16xf32>, vector<16xf32>, vector<16xf32>, vector<16xf32>, vector<16xf32>, vector<16xf32>, vector<16xf32>, vector<16xf32>, vector<16xf32>, vector<16xf32>, vector<16xf32>, vector<16xf32>, vector<16xf32>, vector<16xf32>, vector<16xf32>, vector<16xf32>, vector<16xf32>, vector<16xf32>, vector<16xf32>, vector<16xf32>
    }
    %scan3A_114 = arith.constant 64 : i32
    %max3A = arith.maximumf %scan3A_113#0, %scan3A_113#3 : vector<16xf32>
    %min3A = arith.minimumf %scan3A_113#0, %scan3A_113#3 : vector<16xf32>
    %max3A_115 = arith.maximumf %scan3A_113#1, %scan3A_113#4 : vector<16xf32>
    %max3A_116 = arith.maximumf %min3A, %max3A_115 : vector<16xf32>
    %min3A_117 = arith.minimumf %min3A, %max3A_115 : vector<16xf32>
    %max3A_118 = arith.maximumf %scan3A_113#2, %scan3A_113#5 : vector<16xf32>
    %max3A_119 = arith.maximumf %min3A_117, %max3A_118 : vector<16xf32>
    %max3A_120 = arith.maximumf %scan3A_113#6, %scan3A_113#9 : vector<16xf32>
    %min3A_121 = arith.minimumf %scan3A_113#6, %scan3A_113#9 : vector<16xf32>
    %max3A_122 = arith.maximumf %scan3A_113#7, %scan3A_113#10 : vector<16xf32>
    %max3A_123 = arith.maximumf %min3A_121, %max3A_122 : vector<16xf32>
    %min3A_124 = arith.minimumf %min3A_121, %max3A_122 : vector<16xf32>
    %max3A_125 = arith.maximumf %scan3A_113#8, %scan3A_113#11 : vector<16xf32>
    %max3A_126 = arith.maximumf %min3A_124, %max3A_125 : vector<16xf32>
    %max3A_127 = arith.maximumf %scan3A_113#12, %scan3A_113#15 : vector<16xf32>
    %min3A_128 = arith.minimumf %scan3A_113#12, %scan3A_113#15 : vector<16xf32>
    %max3A_129 = arith.maximumf %scan3A_113#13, %scan3A_113#16 : vector<16xf32>
    %max3A_130 = arith.maximumf %min3A_128, %max3A_129 : vector<16xf32>
    %min3A_131 = arith.minimumf %min3A_128, %max3A_129 : vector<16xf32>
    %max3A_132 = arith.maximumf %scan3A_113#14, %scan3A_113#17 : vector<16xf32>
    %max3A_133 = arith.maximumf %min3A_131, %max3A_132 : vector<16xf32>
    %max3A_134 = arith.maximumf %scan3A_113#18, %scan3A_113#21 : vector<16xf32>
    %min3A_135 = arith.minimumf %scan3A_113#18, %scan3A_113#21 : vector<16xf32>
    %max3A_136 = arith.maximumf %scan3A_113#19, %scan3A_113#22 : vector<16xf32>
    %max3A_137 = arith.maximumf %min3A_135, %max3A_136 : vector<16xf32>
    %min3A_138 = arith.minimumf %min3A_135, %max3A_136 : vector<16xf32>
    %max3A_139 = arith.maximumf %scan3A_113#20, %scan3A_113#23 : vector<16xf32>
    %max3A_140 = arith.maximumf %min3A_138, %max3A_139 : vector<16xf32>
    %max3A_141 = arith.maximumf %max3A, %max3A_120 : vector<16xf32>
    %min3A_142 = arith.minimumf %max3A, %max3A_120 : vector<16xf32>
    %max3A_143 = arith.maximumf %max3A_116, %max3A_123 : vector<16xf32>
    %max3A_144 = arith.maximumf %min3A_142, %max3A_143 : vector<16xf32>
    %min3A_145 = arith.minimumf %min3A_142, %max3A_143 : vector<16xf32>
    %max3A_146 = arith.maximumf %max3A_119, %max3A_126 : vector<16xf32>
    %max3A_147 = arith.maximumf %min3A_145, %max3A_146 : vector<16xf32>
    %max3A_148 = arith.maximumf %max3A_127, %max3A_134 : vector<16xf32>
    %min3A_149 = arith.minimumf %max3A_127, %max3A_134 : vector<16xf32>
    %max3A_150 = arith.maximumf %max3A_130, %max3A_137 : vector<16xf32>
    %max3A_151 = arith.maximumf %min3A_149, %max3A_150 : vector<16xf32>
    %min3A_152 = arith.minimumf %min3A_149, %max3A_150 : vector<16xf32>
    %max3A_153 = arith.maximumf %max3A_133, %max3A_140 : vector<16xf32>
    %max3A_154 = arith.maximumf %min3A_152, %max3A_153 : vector<16xf32>
    %max3A_155 = arith.maximumf %max3A_141, %max3A_148 : vector<16xf32>
    %min3A_156 = arith.minimumf %max3A_141, %max3A_148 : vector<16xf32>
    %max3A_157 = arith.maximumf %max3A_144, %max3A_151 : vector<16xf32>
    %max3A_158 = arith.maximumf %min3A_156, %max3A_157 : vector<16xf32>
    %min3A_159 = arith.minimumf %min3A_156, %max3A_157 : vector<16xf32>
    %max3A_160 = arith.maximumf %max3A_147, %max3A_154 : vector<16xf32>
    %max3A_161 = arith.maximumf %min3A_159, %max3A_160 : vector<16xf32>
    %reduce_max3A = arith.constant true
    %reduce_max3A_162 = vector.broadcast %reduce_max3A : i1 to vector<16xi1>
    %reduce_max3A_163 = tpu.scan <max>, %max3A_155 masked %reduce_max3A_162 : vector<16xf32>, vector<16xi1> -> vector<16xf32>
    %reduce_max3A_164 = vector.extract %reduce_max3A_163[15] : f32 from vector<16xf32>
    %eq3A = arith.constant 0 : i32
    %eq3A_165 = vector.broadcast %eq3A : i32 to vector<16xi32>
    %eq3A_166 = arith.cmpi eq, %iota3A, %eq3A_165 : vector<16xi32>
    %broadcast_in_dim3A_167 = vector.broadcast %reduce_max3A_164 : f32 to vector<16xf32>
    %select_n3A = arith.select %eq3A_166, %broadcast_in_dim3A_167, %broadcast_in_dim3A_42 : vector<16xi1>, vector<16xf32>
    %eq3A_168 = vector.broadcast %reduce_max3A_164 : f32 to vector<16xf32>
    %eq3A_169 = arith.cmpf oeq, %max3A_155, %eq3A_168 : vector<16xf32>
    %all_reduce_ffs3A = tpu.all_reduce %eq3A_169 {dim = 0 : i64, kind = #tpu.reduction_kind<find_first_set>} : vector<16xi1> -> vector<16xi32>
    %eq3A_170 = arith.cmpi eq, %iota3A, %all_reduce_ffs3A : vector<16xi32>
    %select_n3A_171 = arith.select %eq3A_170, %max3A_158, %max3A_155 : vector<16xi1>, vector<16xf32>
    %select_n3A_172 = arith.select %eq3A_170, %max3A_161, %max3A_158 : vector<16xi1>, vector<16xf32>
    %jit3A = arith.constant 0xFF800000 : f32
    %broadcast_in_dim3A_173 = vector.broadcast %jit3A : f32 to vector<16xf32>
    %select_n3A_174 = arith.select %eq3A_170, %broadcast_in_dim3A_173, %max3A_161 : vector<16xi1>, vector<16xf32>
    %reduce_max3A_175 = arith.constant true
    %reduce_max3A_176 = vector.broadcast %reduce_max3A_175 : i1 to vector<16xi1>
    %reduce_max3A_177 = tpu.scan <max>, %select_n3A_171 masked %reduce_max3A_176 : vector<16xf32>, vector<16xi1> -> vector<16xf32>
    %reduce_max3A_178 = vector.extract %reduce_max3A_177[15] : f32 from vector<16xf32>
    %eq3A_179 = arith.constant 1 : i32
    %eq3A_180 = vector.broadcast %eq3A_179 : i32 to vector<16xi32>
    %eq3A_181 = arith.cmpi eq, %iota3A, %eq3A_180 : vector<16xi32>
    %broadcast_in_dim3A_182 = vector.broadcast %reduce_max3A_178 : f32 to vector<16xf32>
    %select_n3A_183 = arith.select %eq3A_181, %broadcast_in_dim3A_182, %select_n3A : vector<16xi1>, vector<16xf32>
    %eq3A_184 = vector.broadcast %reduce_max3A_178 : f32 to vector<16xf32>
    %eq3A_185 = arith.cmpf oeq, %select_n3A_171, %eq3A_184 : vector<16xf32>
    %all_reduce_ffs3A_186 = tpu.all_reduce %eq3A_185 {dim = 0 : i64, kind = #tpu.reduction_kind<find_first_set>} : vector<16xi1> -> vector<16xi32>
    %eq3A_187 = arith.cmpi eq, %iota3A, %all_reduce_ffs3A_186 : vector<16xi32>
    %select_n3A_188 = arith.select %eq3A_187, %select_n3A_172, %select_n3A_171 : vector<16xi1>, vector<16xf32>
    %select_n3A_189 = arith.select %eq3A_187, %select_n3A_174, %select_n3A_172 : vector<16xi1>, vector<16xf32>
    %jit3A_190 = arith.constant 0xFF800000 : f32
    %broadcast_in_dim3A_191 = vector.broadcast %jit3A_190 : f32 to vector<16xf32>
    %select_n3A_192 = arith.select %eq3A_187, %broadcast_in_dim3A_191, %select_n3A_174 : vector<16xi1>, vector<16xf32>
    %reduce_max3A_193 = arith.constant true
    %reduce_max3A_194 = vector.broadcast %reduce_max3A_193 : i1 to vector<16xi1>
    %reduce_max3A_195 = tpu.scan <max>, %select_n3A_188 masked %reduce_max3A_194 : vector<16xf32>, vector<16xi1> -> vector<16xf32>
    %reduce_max3A_196 = vector.extract %reduce_max3A_195[15] : f32 from vector<16xf32>
    %eq3A_197 = arith.constant 2 : i32
    %eq3A_198 = vector.broadcast %eq3A_197 : i32 to vector<16xi32>
    %eq3A_199 = arith.cmpi eq, %iota3A, %eq3A_198 : vector<16xi32>
    %broadcast_in_dim3A_200 = vector.broadcast %reduce_max3A_196 : f32 to vector<16xf32>
    %select_n3A_201 = arith.select %eq3A_199, %broadcast_in_dim3A_200, %select_n3A_183 : vector<16xi1>, vector<16xf32>
    %broadcast_in_dim3A_202 = arith.constant 0xFF800000 : f32
    %broadcast_in_dim3A_203 = vector.broadcast %broadcast_in_dim3A_202 : f32 to vector<16xf32>
    %dma_wait3A_204 = arith.constant 0 : i32
    %dma_wait3A_205 = tpu.memref_slice %arg2[%add3A_44, %dma_wait3A_204] : memref<128x32768xf32, #tpu.memory_space<hbm>> -> memref<1x32768xf32, #tpu.memory_space<hbm>>
    %dma_wait3A_206 = tpu.memref_squeeze %dma_wait3A_205 : memref<1x32768xf32, #tpu.memory_space<hbm>> -> memref<32768xf32, #tpu.memory_space<hbm>>
    %dma_wait3A_207 = arith.constant 0 : i32
    %dma_wait3A_208 = tpu.memref_slice %arg2[%add3A_44, %dma_wait3A_207] : memref<128x32768xf32, #tpu.memory_space<hbm>> -> memref<1x32768xf32, #tpu.memory_space<hbm>>
    %dma_wait3A_209 = tpu.memref_squeeze %dma_wait3A_208 : memref<1x32768xf32, #tpu.memory_space<hbm>> -> memref<32768xf32, #tpu.memory_space<hbm>>
    tpu.wait_dma2 semaphore(%arg8 : memref<!tpu.dma_semaphore, #tpu.memory_space<semaphore_mem>>) src(%dma_wait3A_209 : memref<32768xf32, #tpu.memory_space<hbm>>) dst(%arg5 : memref<32768xf32, #tpu.memory_space<vmem>>)
    %scan3A_210 = arith.constant 0 : i32
    %scan3A_211 = arith.constant 256 : i32
    %scan3A_212 = arith.addi %scan3A_210, %scan3A_211 : i32
    %scan3A_213 = arith.constant 1 : i32
    %scan3A_214:24 = scf.for %scan3A_311 = %scan3A_210 to %scan3A_212 step %scan3A_213 iter_args(%scan3A_312 = %broadcast_in_dim3A_203, %scan3A_313 = %broadcast_in_dim3A_203, %scan3A_314 = %broadcast_in_dim3A_203, %scan3A_315 = %broadcast_in_dim3A_203, %scan3A_316 = %broadcast_in_dim3A_203, %scan3A_317 = %broadcast_in_dim3A_203, %scan3A_318 = %broadcast_in_dim3A_203, %scan3A_319 = %broadcast_in_dim3A_203, %scan3A_320 = %broadcast_in_dim3A_203, %scan3A_321 = %broadcast_in_dim3A_203, %scan3A_322 = %broadcast_in_dim3A_203, %scan3A_323 = %broadcast_in_dim3A_203, %scan3A_324 = %broadcast_in_dim3A_203, %scan3A_325 = %broadcast_in_dim3A_203, %scan3A_326 = %broadcast_in_dim3A_203, %scan3A_327 = %broadcast_in_dim3A_203, %scan3A_328 = %broadcast_in_dim3A_203, %scan3A_329 = %broadcast_in_dim3A_203, %scan3A_330 = %broadcast_in_dim3A_203, %scan3A_331 = %broadcast_in_dim3A_203, %scan3A_332 = %broadcast_in_dim3A_203, %scan3A_333 = %broadcast_in_dim3A_203, %scan3A_334 = %broadcast_in_dim3A_203, %scan3A_335 = %broadcast_in_dim3A_203) -> (vector<16xf32>, vector<16xf32>, vector<16xf32>, vector<16xf32>, vector<16xf32>, vector<16xf32>, vector<16xf32>, vector<16xf32>, vector<16xf32>, vector<16xf32>, vector<16xf32>, vector<16xf32>, vector<16xf32>, vector<16xf32>, vector<16xf32>, vector<16xf32>, vector<16xf32>, vector<16xf32>, vector<16xf32>, vector<16xf32>, vector<16xf32>, vector<16xf32>, vector<16xf32>, vector<16xf32>)  : i32 {
      %mul3A_336 = arith.constant 8 : i32
      %mul3A_337 = arith.muli %scan3A_311, %mul3A_336 : i32
      %add3A_338 = arith.constant 0 : i32
      %add3A_339 = arith.addi %mul3A_337, %add3A_338 : i32
      %mul3A_340 = arith.constant 16 : i32
      %mul3A_341 = arith.muli %add3A_339, %mul3A_340 : i32
      %add3A_342 = arith.constant 0 : i32
      %add3A_343 = arith.addi %add3A_342, %mul3A_341 : i32
      %multiple_of3A = tpu.assume_multiple %add3A_343, 16 : i32
      %get3A = arith.index_cast %multiple_of3A : i32 to index
      %get3A_344 = tpu.vector_load %arg5[%get3A] {strides = array<i32>} : memref<32768xf32, #tpu.memory_space<vmem>>, vector<16xf32>,
      %max3A_345 = arith.maximumf %scan3A_312, %get3A_344 : vector<16xf32>
      %min3A_346 = arith.minimumf %scan3A_312, %get3A_344 : vector<16xf32>
      %max3A_347 = arith.maximumf %scan3A_313, %min3A_346 : vector<16xf32>
      %min3A_348 = arith.minimumf %scan3A_313, %min3A_346 : vector<16xf32>
      %max3A_349 = arith.maximumf %scan3A_314, %min3A_348 : vector<16xf32>
      %mul3A_350 = arith.constant 8 : i32
      %mul3A_351 = arith.muli %scan3A_311, %mul3A_350 : i32
      %add3A_352 = arith.constant 1 : i32
      %add3A_353 = arith.addi %mul3A_351, %add3A_352 : i32
      %mul3A_354 = arith.constant 16 : i32
      %mul3A_355 = arith.muli %add3A_353, %mul3A_354 : i32
      %add3A_356 = arith.constant 0 : i32
      %add3A_357 = arith.addi %add3A_356, %mul3A_355 : i32
      %multiple_of3A_358 = tpu.assume_multiple %add3A_357, 16 : i32
      %get3A_359 = arith.index_cast %multiple_of3A_358 : i32 to index
      %get3A_360 = tpu.vector_load %arg5[%get3A_359] {strides = array<i32>} : memref<32768xf32, #tpu.memory_space<vmem>>, vector<16xf32>,
      %max3A_361 = arith.maximumf %scan3A_315, %get3A_360 : vector<16xf32>
      %min3A_362 = arith.minimumf %scan3A_315, %get3A_360 : vector<16xf32>
      %max3A_363 = arith.maximumf %scan3A_316, %min3A_362 : vector<16xf32>
      %min3A_364 = arith.minimumf %scan3A_316, %min3A_362 : vector<16xf32>
      %max3A_365 = arith.maximumf %scan3A_317, %min3A_364 : vector<16xf32>
      %mul3A_366 = arith.constant 8 : i32
      %mul3A_367 = arith.muli %scan3A_311, %mul3A_366 : i32
      %add3A_368 = arith.constant 2 : i32
      %add3A_369 = arith.addi %mul3A_367, %add3A_368 : i32
      %mul3A_370 = arith.constant 16 : i32
      %mul3A_371 = arith.muli %add3A_369, %mul3A_370 : i32
      %add3A_372 = arith.constant 0 : i32
      %add3A_373 = arith.addi %add3A_372, %mul3A_371 : i32
      %multiple_of3A_374 = tpu.assume_multiple %add3A_373, 16 : i32
      %get3A_375 = arith.index_cast %multiple_of3A_374 : i32 to index
      %get3A_376 = tpu.vector_load %arg5[%get3A_375] {strides = array<i32>} : memref<32768xf32, #tpu.memory_space<vmem>>, vector<16xf32>,
      %max3A_377 = arith.maximumf %scan3A_318, %get3A_376 : vector<16xf32>
      %min3A_378 = arith.minimumf %scan3A_318, %get3A_376 : vector<16xf32>
      %max3A_379 = arith.maximumf %scan3A_319, %min3A_378 : vector<16xf32>
      %min3A_380 = arith.minimumf %scan3A_319, %min3A_378 : vector<16xf32>
      %max3A_381 = arith.maximumf %scan3A_320, %min3A_380 : vector<16xf32>
      %mul3A_382 = arith.constant 8 : i32
      %mul3A_383 = arith.muli %scan3A_311, %mul3A_382 : i32
      %add3A_384 = arith.constant 3 : i32
      %add3A_385 = arith.addi %mul3A_383, %add3A_384 : i32
      %mul3A_386 = arith.constant 16 : i32
      %mul3A_387 = arith.muli %add3A_385, %mul3A_386 : i32
      %add3A_388 = arith.constant 0 : i32
      %add3A_389 = arith.addi %add3A_388, %mul3A_387 : i32
      %multiple_of3A_390 = tpu.assume_multiple %add3A_389, 16 : i32
      %get3A_391 = arith.index_cast %multiple_of3A_390 : i32 to index
      %get3A_392 = tpu.vector_load %arg5[%get3A_391] {strides = array<i32>} : memref<32768xf32, #tpu.memory_space<vmem>>, vector<16xf32>,
      %max3A_393 = arith.maximumf %scan3A_321, %get3A_392 : vector<16xf32>
      %min3A_394 = arith.minimumf %scan3A_321, %get3A_392 : vector<16xf32>
      %max3A_395 = arith.maximumf %scan3A_322, %min3A_394 : vector<16xf32>
      %min3A_396 = arith.minimumf %scan3A_322, %min3A_394 : vector<16xf32>
      %max3A_397 = arith.maximumf %scan3A_323, %min3A_396 : vector<16xf32>
      %mul3A_398 = arith.constant 8 : i32
      %mul3A_399 = arith.muli %scan3A_311, %mul3A_398 : i32
      %add3A_400 = arith.constant 4 : i32
      %add3A_401 = arith.addi %mul3A_399, %add3A_400 : i32
      %mul3A_402 = arith.constant 16 : i32
      %mul3A_403 = arith.muli %add3A_401, %mul3A_402 : i32
      %add3A_404 = arith.constant 0 : i32
      %add3A_405 = arith.addi %add3A_404, %mul3A_403 : i32
      %multiple_of3A_406 = tpu.assume_multiple %add3A_405, 16 : i32
      %get3A_407 = arith.index_cast %multiple_of3A_406 : i32 to index
      %get3A_408 = tpu.vector_load %arg5[%get3A_407] {strides = array<i32>} : memref<32768xf32, #tpu.memory_space<vmem>>, vector<16xf32>,
      %max3A_409 = arith.maximumf %scan3A_324, %get3A_408 : vector<16xf32>
      %min3A_410 = arith.minimumf %scan3A_324, %get3A_408 : vector<16xf32>
      %max3A_411 = arith.maximumf %scan3A_325, %min3A_410 : vector<16xf32>
      %min3A_412 = arith.minimumf %scan3A_325, %min3A_410 : vector<16xf32>
      %max3A_413 = arith.maximumf %scan3A_326, %min3A_412 : vector<16xf32>
      %mul3A_414 = arith.constant 8 : i32
      %mul3A_415 = arith.muli %scan3A_311, %mul3A_414 : i32
      %add3A_416 = arith.constant 5 : i32
      %add3A_417 = arith.addi %mul3A_415, %add3A_416 : i32
      %mul3A_418 = arith.constant 16 : i32
      %mul3A_419 = arith.muli %add3A_417, %mul3A_418 : i32
      %add3A_420 = arith.constant 0 : i32
      %add3A_421 = arith.addi %add3A_420, %mul3A_419 : i32
      %multiple_of3A_422 = tpu.assume_multiple %add3A_421, 16 : i32
      %get3A_423 = arith.index_cast %multiple_of3A_422 : i32 to index
      %get3A_424 = tpu.vector_load %arg5[%get3A_423] {strides = array<i32>} : memref<32768xf32, #tpu.memory_space<vmem>>, vector<16xf32>,
      %max3A_425 = arith.maximumf %scan3A_327, %get3A_424 : vector<16xf32>
      %min3A_426 = arith.minimumf %scan3A_327, %get3A_424 : vector<16xf32>
      %max3A_427 = arith.maximumf %scan3A_328, %min3A_426 : vector<16xf32>
      %min3A_428 = arith.minimumf %scan3A_328, %min3A_426 : vector<16xf32>
      %max3A_429 = arith.maximumf %scan3A_329, %min3A_428 : vector<16xf32>
      %mul3A_430 = arith.constant 8 : i32
      %mul3A_431 = arith.muli %scan3A_311, %mul3A_430 : i32
      %add3A_432 = arith.constant 6 : i32
      %add3A_433 = arith.addi %mul3A_431, %add3A_432 : i32
      %mul3A_434 = arith.constant 16 : i32
      %mul3A_435 = arith.muli %add3A_433, %mul3A_434 : i32
      %add3A_436 = arith.constant 0 : i32
      %add3A_437 = arith.addi %add3A_436, %mul3A_435 : i32
      %multiple_of3A_438 = tpu.assume_multiple %add3A_437, 16 : i32
      %get3A_439 = arith.index_cast %multiple_of3A_438 : i32 to index
      %get3A_440 = tpu.vector_load %arg5[%get3A_439] {strides = array<i32>} : memref<32768xf32, #tpu.memory_space<vmem>>, vector<16xf32>,
      %max3A_441 = arith.maximumf %scan3A_330, %get3A_440 : vector<16xf32>
      %min3A_442 = arith.minimumf %scan3A_330, %get3A_440 : vector<16xf32>
      %max3A_443 = arith.maximumf %scan3A_331, %min3A_442 : vector<16xf32>
      %min3A_444 = arith.minimumf %scan3A_331, %min3A_442 : vector<16xf32>
      %max3A_445 = arith.maximumf %scan3A_332, %min3A_444 : vector<16xf32>
      %mul3A_446 = arith.constant 8 : i32
      %mul3A_447 = arith.muli %scan3A_311, %mul3A_446 : i32
      %add3A_448 = arith.constant 7 : i32
      %add3A_449 = arith.addi %mul3A_447, %add3A_448 : i32
      %mul3A_450 = arith.constant 16 : i32
      %mul3A_451 = arith.muli %add3A_449, %mul3A_450 : i32
      %add3A_452 = arith.constant 0 : i32
      %add3A_453 = arith.addi %add3A_452, %mul3A_451 : i32
      %multiple_of3A_454 = tpu.assume_multiple %add3A_453, 16 : i32
      %get3A_455 = arith.index_cast %multiple_of3A_454 : i32 to index
      %get3A_456 = tpu.vector_load %arg5[%get3A_455] {strides = array<i32>} : memref<32768xf32, #tpu.memory_space<vmem>>, vector<16xf32>,
      %max3A_457 = arith.maximumf %scan3A_333, %get3A_456 : vector<16xf32>
      %min3A_458 = arith.minimumf %scan3A_333, %get3A_456 : vector<16xf32>
      %max3A_459 = arith.maximumf %scan3A_334, %min3A_458 : vector<16xf32>
      %min3A_460 = arith.minimumf %scan3A_334, %min3A_458 : vector<16xf32>
      %max3A_461 = arith.maximumf %scan3A_335, %min3A_460 : vector<16xf32>
      scf.yield %max3A_345, %max3A_347, %max3A_349, %max3A_361, %max3A_363, %max3A_365, %max3A_377, %max3A_379, %max3A_381, %max3A_393, %max3A_395, %max3A_397, %max3A_409, %max3A_411, %max3A_413, %max3A_425, %max3A_427, %max3A_429, %max3A_441, %max3A_443, %max3A_445, %max3A_457, %max3A_459, %max3A_461 : vector<16xf32>, vector<16xf32>, vector<16xf32>, vector<16xf32>, vector<16xf32>, vector<16xf32>, vector<16xf32>, vector<16xf32>, vector<16xf32>, vector<16xf32>, vector<16xf32>, vector<16xf32>, vector<16xf32>, vector<16xf32>, vector<16xf32>, vector<16xf32>, vector<16xf32>, vector<16xf32>, vector<16xf32>, vector<16xf32>, vector<16xf32>, vector<16xf32>, vector<16xf32>, vector<16xf32>
    }
    %scan3A_215 = arith.constant 256 : i32
    %max3A_216 = arith.maximumf %scan3A_214#0, %scan3A_214#3 : vector<16xf32>
    %min3A_217 = arith.minimumf %scan3A_214#0, %scan3A_214#3 : vector<16xf32>
    %max3A_218 = arith.maximumf %scan3A_214#1, %scan3A_214#4 : vector<16xf32>
    %max3A_219 = arith.maximumf %min3A_217, %max3A_218 : vector<16xf32>
    %min3A_220 = arith.minimumf %min3A_217, %max3A_218 : vector<16xf32>
    %max3A_221 = arith.maximumf %scan3A_214#2, %scan3A_214#5 : vector<16xf32>
    %max3A_222 = arith.maximumf %min3A_220, %max3A_221 : vector<16xf32>
    %max3A_223 = arith.maximumf %scan3A_214#6, %scan3A_214#9 : vector<16xf32>
    %min3A_224 = arith.minimumf %scan3A_214#6, %scan3A_214#9 : vector<16xf32>
    %max3A_225 = arith.maximumf %scan3A_214#7, %scan3A_214#10 : vector<16xf32>
    %max3A_226 = arith.maximumf %min3A_224, %max3A_225 : vector<16xf32>
    %min3A_227 = arith.minimumf %min3A_224, %max3A_225 : vector<16xf32>
    %max3A_228 = arith.maximumf %scan3A_214#8, %scan3A_214#11 : vector<16xf32>
    %max3A_229 = arith.maximumf %min3A_227, %max3A_228 : vector<16xf32>
    %max3A_230 = arith.maximumf %scan3A_214#12, %scan3A_214#15 : vector<16xf32>
    %min3A_231 = arith.minimumf %scan3A_214#12, %scan3A_214#15 : vector<16xf32>
    %max3A_232 = arith.maximumf %scan3A_214#13, %scan3A_214#16 : vector<16xf32>
    %max3A_233 = arith.maximumf %min3A_231, %max3A_232 : vector<16xf32>
    %min3A_234 = arith.minimumf %min3A_231, %max3A_232 : vector<16xf32>
    %max3A_235 = arith.maximumf %scan3A_214#14, %scan3A_214#17 : vector<16xf32>
    %max3A_236 = arith.maximumf %min3A_234, %max3A_235 : vector<16xf32>
    %max3A_237 = arith.maximumf %scan3A_214#18, %scan3A_214#21 : vector<16xf32>
    %min3A_238 = arith.minimumf %scan3A_214#18, %scan3A_214#21 : vector<16xf32>
    %max3A_239 = arith.maximumf %scan3A_214#19, %scan3A_214#22 : vector<16xf32>
    %max3A_240 = arith.maximumf %min3A_238, %max3A_239 : vector<16xf32>
    %min3A_241 = arith.minimumf %min3A_238, %max3A_239 : vector<16xf32>
    %max3A_242 = arith.maximumf %scan3A_214#20, %scan3A_214#23 : vector<16xf32>
    %max3A_243 = arith.maximumf %min3A_241, %max3A_242 : vector<16xf32>
    %max3A_244 = arith.maximumf %max3A_216, %max3A_223 : vector<16xf32>
    %min3A_245 = arith.minimumf %max3A_216, %max3A_223 : vector<16xf32>
    %max3A_246 = arith.maximumf %max3A_219, %max3A_226 : vector<16xf32>
    %max3A_247 = arith.maximumf %min3A_245, %max3A_246 : vector<16xf32>
    %min3A_248 = arith.minimumf %min3A_245, %max3A_246 : vector<16xf32>
    %max3A_249 = arith.maximumf %max3A_222, %max3A_229 : vector<16xf32>
    %max3A_250 = arith.maximumf %min3A_248, %max3A_249 : vector<16xf32>
    %max3A_251 = arith.maximumf %max3A_230, %max3A_237 : vector<16xf32>
    %min3A_252 = arith.minimumf %max3A_230, %max3A_237 : vector<16xf32>
    %max3A_253 = arith.maximumf %max3A_233, %max3A_240 : vector<16xf32>
    %max3A_254 = arith.maximumf %min3A_252, %max3A_253 : vector<16xf32>
    %min3A_255 = arith.minimumf %min3A_252, %max3A_253 : vector<16xf32>
    %max3A_256 = arith.maximumf %max3A_236, %max3A_243 : vector<16xf32>
    %max3A_257 = arith.maximumf %min3A_255, %max3A_256 : vector<16xf32>
    %max3A_258 = arith.maximumf %max3A_244, %max3A_251 : vector<16xf32>
    %min3A_259 = arith.minimumf %max3A_244, %max3A_251 : vector<16xf32>
    %max3A_260 = arith.maximumf %max3A_247, %max3A_254 : vector<16xf32>
    %max3A_261 = arith.maximumf %min3A_259, %max3A_260 : vector<16xf32>
    %min3A_262 = arith.minimumf %min3A_259, %max3A_260 : vector<16xf32>
    %max3A_263 = arith.maximumf %max3A_250, %max3A_257 : vector<16xf32>
    %max3A_264 = arith.maximumf %min3A_262, %max3A_263 : vector<16xf32>
    %reduce_max3A_265 = arith.constant true
    %reduce_max3A_266 = vector.broadcast %reduce_max3A_265 : i1 to vector<16xi1>
    %reduce_max3A_267 = tpu.scan <max>, %max3A_258 masked %reduce_max3A_266 : vector<16xf32>, vector<16xi1> -> vector<16xf32>
    %reduce_max3A_268 = vector.extract %reduce_max3A_267[15] : f32 from vector<16xf32>
    %eq3A_269 = arith.constant 3 : i32
    %eq3A_270 = vector.broadcast %eq3A_269 : i32 to vector<16xi32>
    %eq3A_271 = arith.cmpi eq, %iota3A, %eq3A_270 : vector<16xi32>
    %broadcast_in_dim3A_272 = vector.broadcast %reduce_max3A_268 : f32 to vector<16xf32>
    %select_n3A_273 = arith.select %eq3A_271, %broadcast_in_dim3A_272, %select_n3A_201 : vector<16xi1>, vector<16xf32>
    %eq3A_274 = vector.broadcast %reduce_max3A_268 : f32 to vector<16xf32>
    %eq3A_275 = arith.cmpf oeq, %max3A_258, %eq3A_274 : vector<16xf32>
    %all_reduce_ffs3A_276 = tpu.all_reduce %eq3A_275 {dim = 0 : i64, kind = #tpu.reduction_kind<find_first_set>} : vector<16xi1> -> vector<16xi32>
    %eq3A_277 = arith.cmpi eq, %iota3A, %all_reduce_ffs3A_276 : vector<16xi32>
    %select_n3A_278 = arith.select %eq3A_277, %max3A_261, %max3A_258 : vector<16xi1>, vector<16xf32>
    %select_n3A_279 = arith.select %eq3A_277, %max3A_264, %max3A_261 : vector<16xi1>, vector<16xf32>
    %jit3A_280 = arith.constant 0xFF800000 : f32
    %broadcast_in_dim3A_281 = vector.broadcast %jit3A_280 : f32 to vector<16xf32>
    %select_n3A_282 = arith.select %eq3A_277, %broadcast_in_dim3A_281, %max3A_264 : vector<16xi1>, vector<16xf32>
    %reduce_max3A_283 = arith.constant true
    %reduce_max3A_284 = vector.broadcast %reduce_max3A_283 : i1 to vector<16xi1>
    %reduce_max3A_285 = tpu.scan <max>, %select_n3A_278 masked %reduce_max3A_284 : vector<16xf32>, vector<16xi1> -> vector<16xf32>
    %reduce_max3A_286 = vector.extract %reduce_max3A_285[15] : f32 from vector<16xf32>
    %eq3A_287 = arith.constant 4 : i32
    %eq3A_288 = vector.broadcast %eq3A_287 : i32 to vector<16xi32>
    %eq3A_289 = arith.cmpi eq, %iota3A, %eq3A_288 : vector<16xi32>
    %broadcast_in_dim3A_290 = vector.broadcast %reduce_max3A_286 : f32 to vector<16xf32>
    %select_n3A_291 = arith.select %eq3A_289, %broadcast_in_dim3A_290, %select_n3A_273 : vector<16xi1>, vector<16xf32>
    %eq3A_292 = vector.broadcast %reduce_max3A_286 : f32 to vector<16xf32>
    %eq3A_293 = arith.cmpf oeq, %select_n3A_278, %eq3A_292 : vector<16xf32>
    %all_reduce_ffs3A_294 = tpu.all_reduce %eq3A_293 {dim = 0 : i64, kind = #tpu.reduction_kind<find_first_set>} : vector<16xi1> -> vector<16xi32>
    %eq3A_295 = arith.cmpi eq, %iota3A, %all_reduce_ffs3A_294 : vector<16xi32>
    %select_n3A_296 = arith.select %eq3A_295, %select_n3A_279, %select_n3A_278 : vector<16xi1>, vector<16xf32>
    %select_n3A_297 = arith.select %eq3A_295, %select_n3A_282, %select_n3A_279 : vector<16xi1>, vector<16xf32>
    %jit3A_298 = arith.constant 0xFF800000 : f32
    %broadcast_in_dim3A_299 = vector.broadcast %jit3A_298 : f32 to vector<16xf32>
    %select_n3A_300 = arith.select %eq3A_295, %broadcast_in_dim3A_299, %select_n3A_282 : vector<16xi1>, vector<16xf32>
    %reduce_max3A_301 = arith.constant true
    %reduce_max3A_302 = vector.broadcast %reduce_max3A_301 : i1 to vector<16xi1>
    %reduce_max3A_303 = tpu.scan <max>, %select_n3A_296 masked %reduce_max3A_302 : vector<16xf32>, vector<16xi1> -> vector<16xf32>
    %reduce_max3A_304 = vector.extract %reduce_max3A_303[15] : f32 from vector<16xf32>
    %eq3A_305 = arith.constant 5 : i32
    %eq3A_306 = vector.broadcast %eq3A_305 : i32 to vector<16xi32>
    %eq3A_307 = arith.cmpi eq, %iota3A, %eq3A_306 : vector<16xi32>
    %broadcast_in_dim3A_308 = vector.broadcast %reduce_max3A_304 : f32 to vector<16xf32>
    %select_n3A_309 = arith.select %eq3A_307, %broadcast_in_dim3A_308, %select_n3A_291 : vector<16xi1>, vector<16xf32>
    %swap3A = arith.constant 0 : index
    %swap3A_310 = tpu.vector_load %arg6[%swap3A] {strides = array<i32>} : memref<16xf32, #tpu.memory_space<vmem>>, vector<16xf32>,
    tpu.vector_store %arg6[%swap3A], %select_n3A_309 {strides = array<i32>} : memref<16xf32, #tpu.memory_space<vmem>>, vector<16xf32>,
    "tpu.region"() ({
      %run_scoped3A = tpu.sem_alloc : memref<!tpu.dma_semaphore, #tpu.memory_space<semaphore_mem>>
      %dma_start3A_311 = arith.constant 0 : i32
      %dma_start3A_312 = tpu.memref_slice %arg3[%add3A, %dma_start3A_311] : memref<32x16xf32, #tpu.memory_space<hbm>> -> memref<1x16xf32, #tpu.memory_space<hbm>>
      %dma_start3A_313 = tpu.memref_squeeze %dma_start3A_312 : memref<1x16xf32, #tpu.memory_space<hbm>> -> memref<16xf32, #tpu.memory_space<hbm>>
      %dma_start3A_314 = arith.constant 0 : i32
      %dma_start3A_315 = tpu.memref_slice %arg3[%add3A, %dma_start3A_314] : memref<32x16xf32, #tpu.memory_space<hbm>> -> memref<1x16xf32, #tpu.memory_space<hbm>>
      %dma_start3A_316 = tpu.memref_squeeze %dma_start3A_315 : memref<1x16xf32, #tpu.memory_space<hbm>> -> memref<16xf32, #tpu.memory_space<hbm>>
      tpu.enqueue_dma source(%arg6 : memref<16xf32, #tpu.memory_space<vmem>>) target(%dma_start3A_316 : memref<16xf32, #tpu.memory_space<hbm>>) target_semaphore(%run_scoped3A : memref<!tpu.dma_semaphore, #tpu.memory_space<semaphore_mem>>)
      %dma_wait3A_317 = arith.constant 0 : i32
      %dma_wait3A_318 = tpu.memref_slice %arg3[%add3A, %dma_wait3A_317] : memref<32x16xf32, #tpu.memory_space<hbm>> -> memref<1x16xf32, #tpu.memory_space<hbm>>
      %dma_wait3A_319 = tpu.memref_squeeze %dma_wait3A_318 : memref<1x16xf32, #tpu.memory_space<hbm>> -> memref<16xf32, #tpu.memory_space<hbm>>
      %dma_wait3A_320 = arith.constant 0 : i32
      %dma_wait3A_321 = tpu.memref_slice %arg3[%add3A, %dma_wait3A_320] : memref<32x16xf32, #tpu.memory_space<hbm>> -> memref<1x16xf32, #tpu.memory_space<hbm>>
      %dma_wait3A_322 = tpu.memref_squeeze %dma_wait3A_321 : memref<1x16xf32, #tpu.memory_space<hbm>> -> memref<16xf32, #tpu.memory_space<hbm>>
      tpu.wait_dma2 semaphore(%run_scoped3A : memref<!tpu.dma_semaphore, #tpu.memory_space<semaphore_mem>>) src(%arg6 : memref<16xf32, #tpu.memory_space<vmem>>) dst(%dma_wait3A_322 : memref<16xf32, #tpu.memory_space<hbm>>)
      tpu.yield
    }) : () -> ()
    return
  }
}

module attributes {stable_mosaic.version = 14 : i64} {
  func.func @_tc_body(%arg0: i32, %arg1: memref<8x32768xf32, #tpu.memory_space<vmem>>, %arg2: memref<8x8xf32, #tpu.memory_space<vmem>>) attributes {dimension_semantics = [#tpu.dimension_semantics<arbitrary>], iteration_bounds = array<i64: 8>, scalar_prefetch = 0 : i64, scratch_operands = 0 : i64, tpu.core_type = #tpu.core_type<tc>, window_params = [{transform_indices = @transform_0, window_bounds = array<i64: 8, 32768>}, {transform_indices = @transform_1, window_bounds = array<i64: 8, 8>}]} {
    %broadcast_in_dim3A = arith.constant 0xFF800000 : f32
    %broadcast_in_dim3A_0 = vector.broadcast %broadcast_in_dim3A : f32 to vector<8x128xf32>
    %scan3A = arith.constant 0 : i32
    %scan3A_1 = arith.constant 32 : i32
    %scan3A_2 = arith.addi %scan3A, %scan3A_1 : i32
    %scan3A_3 = arith.constant 1 : i32
    %scan3A_4:24 = scf.for %scan3A_151 = %scan3A to %scan3A_2 step %scan3A_3 iter_args(%scan3A_152 = %broadcast_in_dim3A_0, %scan3A_153 = %broadcast_in_dim3A_0, %scan3A_154 = %broadcast_in_dim3A_0, %scan3A_155 = %broadcast_in_dim3A_0, %scan3A_156 = %broadcast_in_dim3A_0, %scan3A_157 = %broadcast_in_dim3A_0, %scan3A_158 = %broadcast_in_dim3A_0, %scan3A_159 = %broadcast_in_dim3A_0, %scan3A_160 = %broadcast_in_dim3A_0, %scan3A_161 = %broadcast_in_dim3A_0, %scan3A_162 = %broadcast_in_dim3A_0, %scan3A_163 = %broadcast_in_dim3A_0, %scan3A_164 = %broadcast_in_dim3A_0, %scan3A_165 = %broadcast_in_dim3A_0, %scan3A_166 = %broadcast_in_dim3A_0, %scan3A_167 = %broadcast_in_dim3A_0, %scan3A_168 = %broadcast_in_dim3A_0, %scan3A_169 = %broadcast_in_dim3A_0, %scan3A_170 = %broadcast_in_dim3A_0, %scan3A_171 = %broadcast_in_dim3A_0, %scan3A_172 = %broadcast_in_dim3A_0, %scan3A_173 = %broadcast_in_dim3A_0, %scan3A_174 = %broadcast_in_dim3A_0, %scan3A_175 = %broadcast_in_dim3A_0) -> (vector<8x128xf32>, vector<8x128xf32>, vector<8x128xf32>, vector<8x128xf32>, vector<8x128xf32>, vector<8x128xf32>, vector<8x128xf32>, vector<8x128xf32>, vector<8x128xf32>, vector<8x128xf32>, vector<8x128xf32>, vector<8x128xf32>, vector<8x128xf32>, vector<8x128xf32>, vector<8x128xf32>, vector<8x128xf32>, vector<8x128xf32>, vector<8x128xf32>, vector<8x128xf32>, vector<8x128xf32>, vector<8x128xf32>, vector<8x128xf32>, vector<8x128xf32>, vector<8x128xf32>)  : i32 {
      %mul3A = arith.constant 8 : i32
      %mul3A_176 = arith.muli %scan3A_151, %mul3A : i32
      %add3A = arith.constant 0 : i32
      %add3A_177 = arith.addi %mul3A_176, %add3A : i32
      %mul3A_178 = arith.constant 128 : i32
      %mul3A_179 = arith.muli %add3A_177, %mul3A_178 : i32
      %get3A = arith.constant 0 : index
      %get3A_180 = arith.index_cast %mul3A_179 : i32 to index
      %get3A_181 = vector.load %arg1[%get3A, %get3A_180] : memref<8x32768xf32, #tpu.memory_space<vmem>>, vector<8x128xf32>
      %max3A_182 = arith.maximumf %scan3A_152, %get3A_181 : vector<8x128xf32>
      %min3A_183 = arith.minimumf %scan3A_152, %get3A_181 : vector<8x128xf32>
      %max3A_184 = arith.maximumf %scan3A_153, %min3A_183 : vector<8x128xf32>
      %min3A_185 = arith.minimumf %scan3A_153, %min3A_183 : vector<8x128xf32>
      %max3A_186 = arith.maximumf %scan3A_154, %min3A_185 : vector<8x128xf32>
      %mul3A_187 = arith.constant 8 : i32
      %mul3A_188 = arith.muli %scan3A_151, %mul3A_187 : i32
      %add3A_189 = arith.constant 1 : i32
      %add3A_190 = arith.addi %mul3A_188, %add3A_189 : i32
      %mul3A_191 = arith.constant 128 : i32
      %mul3A_192 = arith.muli %add3A_190, %mul3A_191 : i32
      %get3A_193 = arith.constant 0 : index
      %get3A_194 = arith.index_cast %mul3A_192 : i32 to index
      %get3A_195 = vector.load %arg1[%get3A_193, %get3A_194] : memref<8x32768xf32, #tpu.memory_space<vmem>>, vector<8x128xf32>
      %max3A_196 = arith.maximumf %scan3A_155, %get3A_195 : vector<8x128xf32>
      %min3A_197 = arith.minimumf %scan3A_155, %get3A_195 : vector<8x128xf32>
      %max3A_198 = arith.maximumf %scan3A_156, %min3A_197 : vector<8x128xf32>
      %min3A_199 = arith.minimumf %scan3A_156, %min3A_197 : vector<8x128xf32>
      %max3A_200 = arith.maximumf %scan3A_157, %min3A_199 : vector<8x128xf32>
      %mul3A_201 = arith.constant 8 : i32
      %mul3A_202 = arith.muli %scan3A_151, %mul3A_201 : i32
      %add3A_203 = arith.constant 2 : i32
      %add3A_204 = arith.addi %mul3A_202, %add3A_203 : i32
      %mul3A_205 = arith.constant 128 : i32
      %mul3A_206 = arith.muli %add3A_204, %mul3A_205 : i32
      %get3A_207 = arith.constant 0 : index
      %get3A_208 = arith.index_cast %mul3A_206 : i32 to index
      %get3A_209 = vector.load %arg1[%get3A_207, %get3A_208] : memref<8x32768xf32, #tpu.memory_space<vmem>>, vector<8x128xf32>
      %max3A_210 = arith.maximumf %scan3A_158, %get3A_209 : vector<8x128xf32>
      %min3A_211 = arith.minimumf %scan3A_158, %get3A_209 : vector<8x128xf32>
      %max3A_212 = arith.maximumf %scan3A_159, %min3A_211 : vector<8x128xf32>
      %min3A_213 = arith.minimumf %scan3A_159, %min3A_211 : vector<8x128xf32>
      %max3A_214 = arith.maximumf %scan3A_160, %min3A_213 : vector<8x128xf32>
      %mul3A_215 = arith.constant 8 : i32
      %mul3A_216 = arith.muli %scan3A_151, %mul3A_215 : i32
      %add3A_217 = arith.constant 3 : i32
      %add3A_218 = arith.addi %mul3A_216, %add3A_217 : i32
      %mul3A_219 = arith.constant 128 : i32
      %mul3A_220 = arith.muli %add3A_218, %mul3A_219 : i32
      %get3A_221 = arith.constant 0 : index
      %get3A_222 = arith.index_cast %mul3A_220 : i32 to index
      %get3A_223 = vector.load %arg1[%get3A_221, %get3A_222] : memref<8x32768xf32, #tpu.memory_space<vmem>>, vector<8x128xf32>
      %max3A_224 = arith.maximumf %scan3A_161, %get3A_223 : vector<8x128xf32>
      %min3A_225 = arith.minimumf %scan3A_161, %get3A_223 : vector<8x128xf32>
      %max3A_226 = arith.maximumf %scan3A_162, %min3A_225 : vector<8x128xf32>
      %min3A_227 = arith.minimumf %scan3A_162, %min3A_225 : vector<8x128xf32>
      %max3A_228 = arith.maximumf %scan3A_163, %min3A_227 : vector<8x128xf32>
      %mul3A_229 = arith.constant 8 : i32
      %mul3A_230 = arith.muli %scan3A_151, %mul3A_229 : i32
      %add3A_231 = arith.constant 4 : i32
      %add3A_232 = arith.addi %mul3A_230, %add3A_231 : i32
      %mul3A_233 = arith.constant 128 : i32
      %mul3A_234 = arith.muli %add3A_232, %mul3A_233 : i32
      %get3A_235 = arith.constant 0 : index
      %get3A_236 = arith.index_cast %mul3A_234 : i32 to index
      %get3A_237 = vector.load %arg1[%get3A_235, %get3A_236] : memref<8x32768xf32, #tpu.memory_space<vmem>>, vector<8x128xf32>
      %max3A_238 = arith.maximumf %scan3A_164, %get3A_237 : vector<8x128xf32>
      %min3A_239 = arith.minimumf %scan3A_164, %get3A_237 : vector<8x128xf32>
      %max3A_240 = arith.maximumf %scan3A_165, %min3A_239 : vector<8x128xf32>
      %min3A_241 = arith.minimumf %scan3A_165, %min3A_239 : vector<8x128xf32>
      %max3A_242 = arith.maximumf %scan3A_166, %min3A_241 : vector<8x128xf32>
      %mul3A_243 = arith.constant 8 : i32
      %mul3A_244 = arith.muli %scan3A_151, %mul3A_243 : i32
      %add3A_245 = arith.constant 5 : i32
      %add3A_246 = arith.addi %mul3A_244, %add3A_245 : i32
      %mul3A_247 = arith.constant 128 : i32
      %mul3A_248 = arith.muli %add3A_246, %mul3A_247 : i32
      %get3A_249 = arith.constant 0 : index
      %get3A_250 = arith.index_cast %mul3A_248 : i32 to index
      %get3A_251 = vector.load %arg1[%get3A_249, %get3A_250] : memref<8x32768xf32, #tpu.memory_space<vmem>>, vector<8x128xf32>
      %max3A_252 = arith.maximumf %scan3A_167, %get3A_251 : vector<8x128xf32>
      %min3A_253 = arith.minimumf %scan3A_167, %get3A_251 : vector<8x128xf32>
      %max3A_254 = arith.maximumf %scan3A_168, %min3A_253 : vector<8x128xf32>
      %min3A_255 = arith.minimumf %scan3A_168, %min3A_253 : vector<8x128xf32>
      %max3A_256 = arith.maximumf %scan3A_169, %min3A_255 : vector<8x128xf32>
      %mul3A_257 = arith.constant 8 : i32
      %mul3A_258 = arith.muli %scan3A_151, %mul3A_257 : i32
      %add3A_259 = arith.constant 6 : i32
      %add3A_260 = arith.addi %mul3A_258, %add3A_259 : i32
      %mul3A_261 = arith.constant 128 : i32
      %mul3A_262 = arith.muli %add3A_260, %mul3A_261 : i32
      %get3A_263 = arith.constant 0 : index
      %get3A_264 = arith.index_cast %mul3A_262 : i32 to index
      %get3A_265 = vector.load %arg1[%get3A_263, %get3A_264] : memref<8x32768xf32, #tpu.memory_space<vmem>>, vector<8x128xf32>
      %max3A_266 = arith.maximumf %scan3A_170, %get3A_265 : vector<8x128xf32>
      %min3A_267 = arith.minimumf %scan3A_170, %get3A_265 : vector<8x128xf32>
      %max3A_268 = arith.maximumf %scan3A_171, %min3A_267 : vector<8x128xf32>
      %min3A_269 = arith.minimumf %scan3A_171, %min3A_267 : vector<8x128xf32>
      %max3A_270 = arith.maximumf %scan3A_172, %min3A_269 : vector<8x128xf32>
      %mul3A_271 = arith.constant 8 : i32
      %mul3A_272 = arith.muli %scan3A_151, %mul3A_271 : i32
      %add3A_273 = arith.constant 7 : i32
      %add3A_274 = arith.addi %mul3A_272, %add3A_273 : i32
      %mul3A_275 = arith.constant 128 : i32
      %mul3A_276 = arith.muli %add3A_274, %mul3A_275 : i32
      %get3A_277 = arith.constant 0 : index
      %get3A_278 = arith.index_cast %mul3A_276 : i32 to index
      %get3A_279 = vector.load %arg1[%get3A_277, %get3A_278] : memref<8x32768xf32, #tpu.memory_space<vmem>>, vector<8x128xf32>
      %max3A_280 = arith.maximumf %scan3A_173, %get3A_279 : vector<8x128xf32>
      %min3A_281 = arith.minimumf %scan3A_173, %get3A_279 : vector<8x128xf32>
      %max3A_282 = arith.maximumf %scan3A_174, %min3A_281 : vector<8x128xf32>
      %min3A_283 = arith.minimumf %scan3A_174, %min3A_281 : vector<8x128xf32>
      %max3A_284 = arith.maximumf %scan3A_175, %min3A_283 : vector<8x128xf32>
      scf.yield %max3A_182, %max3A_184, %max3A_186, %max3A_196, %max3A_198, %max3A_200, %max3A_210, %max3A_212, %max3A_214, %max3A_224, %max3A_226, %max3A_228, %max3A_238, %max3A_240, %max3A_242, %max3A_252, %max3A_254, %max3A_256, %max3A_266, %max3A_268, %max3A_270, %max3A_280, %max3A_282, %max3A_284 : vector<8x128xf32>, vector<8x128xf32>, vector<8x128xf32>, vector<8x128xf32>, vector<8x128xf32>, vector<8x128xf32>, vector<8x128xf32>, vector<8x128xf32>, vector<8x128xf32>, vector<8x128xf32>, vector<8x128xf32>, vector<8x128xf32>, vector<8x128xf32>, vector<8x128xf32>, vector<8x128xf32>, vector<8x128xf32>, vector<8x128xf32>, vector<8x128xf32>, vector<8x128xf32>, vector<8x128xf32>, vector<8x128xf32>, vector<8x128xf32>, vector<8x128xf32>, vector<8x128xf32>
    }
    %scan3A_5 = arith.constant 32 : i32
    %max3A = arith.maximumf %scan3A_4#0, %scan3A_4#3 : vector<8x128xf32>
    %min3A = arith.minimumf %scan3A_4#0, %scan3A_4#3 : vector<8x128xf32>
    %max3A_6 = arith.maximumf %scan3A_4#1, %scan3A_4#4 : vector<8x128xf32>
    %max3A_7 = arith.maximumf %min3A, %max3A_6 : vector<8x128xf32>
    %min3A_8 = arith.minimumf %min3A, %max3A_6 : vector<8x128xf32>
    %max3A_9 = arith.maximumf %scan3A_4#2, %scan3A_4#5 : vector<8x128xf32>
    %max3A_10 = arith.maximumf %min3A_8, %max3A_9 : vector<8x128xf32>
    %max3A_11 = arith.maximumf %scan3A_4#6, %scan3A_4#9 : vector<8x128xf32>
    %min3A_12 = arith.minimumf %scan3A_4#6, %scan3A_4#9 : vector<8x128xf32>
    %max3A_13 = arith.maximumf %scan3A_4#7, %scan3A_4#10 : vector<8x128xf32>
    %max3A_14 = arith.maximumf %min3A_12, %max3A_13 : vector<8x128xf32>
    %min3A_15 = arith.minimumf %min3A_12, %max3A_13 : vector<8x128xf32>
    %max3A_16 = arith.maximumf %scan3A_4#8, %scan3A_4#11 : vector<8x128xf32>
    %max3A_17 = arith.maximumf %min3A_15, %max3A_16 : vector<8x128xf32>
    %max3A_18 = arith.maximumf %scan3A_4#12, %scan3A_4#15 : vector<8x128xf32>
    %min3A_19 = arith.minimumf %scan3A_4#12, %scan3A_4#15 : vector<8x128xf32>
    %max3A_20 = arith.maximumf %scan3A_4#13, %scan3A_4#16 : vector<8x128xf32>
    %max3A_21 = arith.maximumf %min3A_19, %max3A_20 : vector<8x128xf32>
    %min3A_22 = arith.minimumf %min3A_19, %max3A_20 : vector<8x128xf32>
    %max3A_23 = arith.maximumf %scan3A_4#14, %scan3A_4#17 : vector<8x128xf32>
    %max3A_24 = arith.maximumf %min3A_22, %max3A_23 : vector<8x128xf32>
    %max3A_25 = arith.maximumf %scan3A_4#18, %scan3A_4#21 : vector<8x128xf32>
    %min3A_26 = arith.minimumf %scan3A_4#18, %scan3A_4#21 : vector<8x128xf32>
    %max3A_27 = arith.maximumf %scan3A_4#19, %scan3A_4#22 : vector<8x128xf32>
    %max3A_28 = arith.maximumf %min3A_26, %max3A_27 : vector<8x128xf32>
    %min3A_29 = arith.minimumf %min3A_26, %max3A_27 : vector<8x128xf32>
    %max3A_30 = arith.maximumf %scan3A_4#20, %scan3A_4#23 : vector<8x128xf32>
    %max3A_31 = arith.maximumf %min3A_29, %max3A_30 : vector<8x128xf32>
    %max3A_32 = arith.maximumf %max3A, %max3A_11 : vector<8x128xf32>
    %min3A_33 = arith.minimumf %max3A, %max3A_11 : vector<8x128xf32>
    %max3A_34 = arith.maximumf %max3A_7, %max3A_14 : vector<8x128xf32>
    %max3A_35 = arith.maximumf %min3A_33, %max3A_34 : vector<8x128xf32>
    %min3A_36 = arith.minimumf %min3A_33, %max3A_34 : vector<8x128xf32>
    %max3A_37 = arith.maximumf %max3A_10, %max3A_17 : vector<8x128xf32>
    %max3A_38 = arith.maximumf %min3A_36, %max3A_37 : vector<8x128xf32>
    %max3A_39 = arith.maximumf %max3A_18, %max3A_25 : vector<8x128xf32>
    %min3A_40 = arith.minimumf %max3A_18, %max3A_25 : vector<8x128xf32>
    %max3A_41 = arith.maximumf %max3A_21, %max3A_28 : vector<8x128xf32>
    %max3A_42 = arith.maximumf %min3A_40, %max3A_41 : vector<8x128xf32>
    %min3A_43 = arith.minimumf %min3A_40, %max3A_41 : vector<8x128xf32>
    %max3A_44 = arith.maximumf %max3A_24, %max3A_31 : vector<8x128xf32>
    %max3A_45 = arith.maximumf %min3A_43, %max3A_44 : vector<8x128xf32>
    %max3A_46 = arith.maximumf %max3A_32, %max3A_39 : vector<8x128xf32>
    %min3A_47 = arith.minimumf %max3A_32, %max3A_39 : vector<8x128xf32>
    %max3A_48 = arith.maximumf %max3A_35, %max3A_42 : vector<8x128xf32>
    %max3A_49 = arith.maximumf %min3A_47, %max3A_48 : vector<8x128xf32>
    %min3A_50 = arith.minimumf %min3A_47, %max3A_48 : vector<8x128xf32>
    %max3A_51 = arith.maximumf %max3A_38, %max3A_45 : vector<8x128xf32>
    %max3A_52 = arith.maximumf %min3A_50, %max3A_51 : vector<8x128xf32>
    %roll3A = arith.constant 64 : i32
    %roll3A_53 = tpu.dynamic_rotate %max3A_46 by %roll3A dim 1 : vector<8x128xf32>, i32 -> vector<8x128xf32>
    %roll3A_54 = arith.constant 64 : i32
    %roll3A_55 = tpu.dynamic_rotate %max3A_49 by %roll3A_54 dim 1 : vector<8x128xf32>, i32 -> vector<8x128xf32>
    %roll3A_56 = arith.constant 64 : i32
    %roll3A_57 = tpu.dynamic_rotate %max3A_52 by %roll3A_56 dim 1 : vector<8x128xf32>, i32 -> vector<8x128xf32>
    %max3A_58 = arith.maximumf %max3A_46, %roll3A_53 : vector<8x128xf32>
    %min3A_59 = arith.minimumf %max3A_46, %roll3A_53 : vector<8x128xf32>
    %max3A_60 = arith.maximumf %max3A_49, %roll3A_55 : vector<8x128xf32>
    %max3A_61 = arith.maximumf %min3A_59, %max3A_60 : vector<8x128xf32>
    %min3A_62 = arith.minimumf %min3A_59, %max3A_60 : vector<8x128xf32>
    %max3A_63 = arith.maximumf %max3A_52, %roll3A_57 : vector<8x128xf32>
    %max3A_64 = arith.maximumf %min3A_62, %max3A_63 : vector<8x128xf32>
    %roll3A_65 = arith.constant 32 : i32
    %roll3A_66 = tpu.dynamic_rotate %max3A_58 by %roll3A_65 dim 1 : vector<8x128xf32>, i32 -> vector<8x128xf32>
    %roll3A_67 = arith.constant 32 : i32
    %roll3A_68 = tpu.dynamic_rotate %max3A_61 by %roll3A_67 dim 1 : vector<8x128xf32>, i32 -> vector<8x128xf32>
    %roll3A_69 = arith.constant 32 : i32
    %roll3A_70 = tpu.dynamic_rotate %max3A_64 by %roll3A_69 dim 1 : vector<8x128xf32>, i32 -> vector<8x128xf32>
    %max3A_71 = arith.maximumf %max3A_58, %roll3A_66 : vector<8x128xf32>
    %min3A_72 = arith.minimumf %max3A_58, %roll3A_66 : vector<8x128xf32>
    %max3A_73 = arith.maximumf %max3A_61, %roll3A_68 : vector<8x128xf32>
    %max3A_74 = arith.maximumf %min3A_72, %max3A_73 : vector<8x128xf32>
    %min3A_75 = arith.minimumf %min3A_72, %max3A_73 : vector<8x128xf32>
    %max3A_76 = arith.maximumf %max3A_64, %roll3A_70 : vector<8x128xf32>
    %max3A_77 = arith.maximumf %min3A_75, %max3A_76 : vector<8x128xf32>
    %roll3A_78 = arith.constant 16 : i32
    %roll3A_79 = tpu.dynamic_rotate %max3A_71 by %roll3A_78 dim 1 : vector<8x128xf32>, i32 -> vector<8x128xf32>
    %roll3A_80 = arith.constant 16 : i32
    %roll3A_81 = tpu.dynamic_rotate %max3A_74 by %roll3A_80 dim 1 : vector<8x128xf32>, i32 -> vector<8x128xf32>
    %roll3A_82 = arith.constant 16 : i32
    %roll3A_83 = tpu.dynamic_rotate %max3A_77 by %roll3A_82 dim 1 : vector<8x128xf32>, i32 -> vector<8x128xf32>
    %max3A_84 = arith.maximumf %max3A_71, %roll3A_79 : vector<8x128xf32>
    %min3A_85 = arith.minimumf %max3A_71, %roll3A_79 : vector<8x128xf32>
    %max3A_86 = arith.maximumf %max3A_74, %roll3A_81 : vector<8x128xf32>
    %max3A_87 = arith.maximumf %min3A_85, %max3A_86 : vector<8x128xf32>
    %min3A_88 = arith.minimumf %min3A_85, %max3A_86 : vector<8x128xf32>
    %max3A_89 = arith.maximumf %max3A_77, %roll3A_83 : vector<8x128xf32>
    %max3A_90 = arith.maximumf %min3A_88, %max3A_89 : vector<8x128xf32>
    %roll3A_91 = arith.constant 8 : i32
    %roll3A_92 = tpu.dynamic_rotate %max3A_84 by %roll3A_91 dim 1 : vector<8x128xf32>, i32 -> vector<8x128xf32>
    %roll3A_93 = arith.constant 8 : i32
    %roll3A_94 = tpu.dynamic_rotate %max3A_87 by %roll3A_93 dim 1 : vector<8x128xf32>, i32 -> vector<8x128xf32>
    %roll3A_95 = arith.constant 8 : i32
    %roll3A_96 = tpu.dynamic_rotate %max3A_90 by %roll3A_95 dim 1 : vector<8x128xf32>, i32 -> vector<8x128xf32>
    %max3A_97 = arith.maximumf %max3A_84, %roll3A_92 : vector<8x128xf32>
    %min3A_98 = arith.minimumf %max3A_84, %roll3A_92 : vector<8x128xf32>
    %max3A_99 = arith.maximumf %max3A_87, %roll3A_94 : vector<8x128xf32>
    %max3A_100 = arith.maximumf %min3A_98, %max3A_99 : vector<8x128xf32>
    %min3A_101 = arith.minimumf %min3A_98, %max3A_99 : vector<8x128xf32>
    %max3A_102 = arith.maximumf %max3A_90, %roll3A_96 : vector<8x128xf32>
    %max3A_103 = arith.maximumf %min3A_101, %max3A_102 : vector<8x128xf32>
    %roll3A_104 = arith.constant 4 : i32
    %roll3A_105 = tpu.dynamic_rotate %max3A_97 by %roll3A_104 dim 1 : vector<8x128xf32>, i32 -> vector<8x128xf32>
    %roll3A_106 = arith.constant 4 : i32
    %roll3A_107 = tpu.dynamic_rotate %max3A_100 by %roll3A_106 dim 1 : vector<8x128xf32>, i32 -> vector<8x128xf32>
    %roll3A_108 = arith.constant 4 : i32
    %roll3A_109 = tpu.dynamic_rotate %max3A_103 by %roll3A_108 dim 1 : vector<8x128xf32>, i32 -> vector<8x128xf32>
    %max3A_110 = arith.maximumf %max3A_97, %roll3A_105 : vector<8x128xf32>
    %min3A_111 = arith.minimumf %max3A_97, %roll3A_105 : vector<8x128xf32>
    %max3A_112 = arith.maximumf %max3A_100, %roll3A_107 : vector<8x128xf32>
    %max3A_113 = arith.maximumf %min3A_111, %max3A_112 : vector<8x128xf32>
    %min3A_114 = arith.minimumf %min3A_111, %max3A_112 : vector<8x128xf32>
    %max3A_115 = arith.maximumf %max3A_103, %roll3A_109 : vector<8x128xf32>
    %max3A_116 = arith.maximumf %min3A_114, %max3A_115 : vector<8x128xf32>
    %roll3A_117 = arith.constant 2 : i32
    %roll3A_118 = tpu.dynamic_rotate %max3A_110 by %roll3A_117 dim 1 : vector<8x128xf32>, i32 -> vector<8x128xf32>
    %roll3A_119 = arith.constant 2 : i32
    %roll3A_120 = tpu.dynamic_rotate %max3A_113 by %roll3A_119 dim 1 : vector<8x128xf32>, i32 -> vector<8x128xf32>
    %roll3A_121 = arith.constant 2 : i32
    %roll3A_122 = tpu.dynamic_rotate %max3A_116 by %roll3A_121 dim 1 : vector<8x128xf32>, i32 -> vector<8x128xf32>
    %max3A_123 = arith.maximumf %max3A_110, %roll3A_118 : vector<8x128xf32>
    %min3A_124 = arith.minimumf %max3A_110, %roll3A_118 : vector<8x128xf32>
    %max3A_125 = arith.maximumf %max3A_113, %roll3A_120 : vector<8x128xf32>
    %max3A_126 = arith.maximumf %min3A_124, %max3A_125 : vector<8x128xf32>
    %min3A_127 = arith.minimumf %min3A_124, %max3A_125 : vector<8x128xf32>
    %max3A_128 = arith.maximumf %max3A_116, %roll3A_122 : vector<8x128xf32>
    %max3A_129 = arith.maximumf %min3A_127, %max3A_128 : vector<8x128xf32>
    %roll3A_130 = arith.constant 1 : i32
    %roll3A_131 = tpu.dynamic_rotate %max3A_123 by %roll3A_130 dim 1 : vector<8x128xf32>, i32 -> vector<8x128xf32>
    %roll3A_132 = arith.constant 1 : i32
    %roll3A_133 = tpu.dynamic_rotate %max3A_126 by %roll3A_132 dim 1 : vector<8x128xf32>, i32 -> vector<8x128xf32>
    %roll3A_134 = arith.constant 1 : i32
    %roll3A_135 = tpu.dynamic_rotate %max3A_129 by %roll3A_134 dim 1 : vector<8x128xf32>, i32 -> vector<8x128xf32>
    %max3A_136 = arith.maximumf %max3A_123, %roll3A_131 : vector<8x128xf32>
    %min3A_137 = arith.minimumf %max3A_123, %roll3A_131 : vector<8x128xf32>
    %max3A_138 = arith.maximumf %max3A_126, %roll3A_133 : vector<8x128xf32>
    %max3A_139 = arith.maximumf %min3A_137, %max3A_138 : vector<8x128xf32>
    %min3A_140 = arith.minimumf %min3A_137, %max3A_138 : vector<8x128xf32>
    %max3A_141 = arith.maximumf %max3A_129, %roll3A_135 : vector<8x128xf32>
    %max3A_142 = arith.maximumf %min3A_140, %max3A_141 : vector<8x128xf32>
    %iota3A = tpu.iota {dimensions = array<i32: 1>} : vector<8x128xi32>
    %eq3A = arith.constant 0 : i32
    %eq3A_143 = vector.broadcast %eq3A : i32 to vector<8x128xi32>
    %eq3A_144 = arith.cmpi eq, %iota3A, %eq3A_143 : vector<8x128xi32>
    %eq3A_145 = arith.constant 1 : i32
    %eq3A_146 = vector.broadcast %eq3A_145 : i32 to vector<8x128xi32>
    %eq3A_147 = arith.cmpi eq, %iota3A, %eq3A_146 : vector<8x128xi32>
    %select_n3A = arith.select %eq3A_147, %max3A_139, %max3A_142 : vector<8x128xi1>, vector<8x128xf32>
    %select_n3A_148 = arith.select %eq3A_144, %max3A_136, %select_n3A : vector<8x128xi1>, vector<8x128xf32>
    %slice3A = vector.extract_strided_slice %select_n3A_148 {offsets = [0, 0], sizes = [8, 8], strides = [1, 1]} : vector<8x128xf32> to vector<8x8xf32>
    %swap3A = arith.constant 0 : index
    %swap3A_149 = arith.constant 0 : index
    %swap3A_150 = vector.load %arg2[%swap3A, %swap3A_149] : memref<8x8xf32, #tpu.memory_space<vmem>>, vector<8x8xf32>
    tpu.vector_store %arg2[%swap3A, %swap3A_149], %slice3A {strides = array<i32>} : memref<8x8xf32, #tpu.memory_space<vmem>>, vector<8x8xf32>,
    return
  }
  func.func @transform_0(%arg0: i32) -> (i32, i32) {
    %add3A = arith.constant 8 : i32
    %add3A_0 = arith.addi %arg0, %add3A : i32
    %c0_i32 = arith.constant 0 : i32
    %c0_i32_1 = arith.constant 0 : i32
    return %add3A_0, %c0_i32 : i32, i32
  }
  func.func @transform_1(%arg0: i32) -> (i32, i32) {
    %c0_i32 = arith.constant 0 : i32
    %c0_i32_0 = arith.constant 0 : i32
    return %arg0, %c0_i32 : i32, i32
  }
}

</mosaic_0001>

<sc_bundles>
// kernel: kernel.4.cloned.1.call-start
scs
__scs_entry_jumppad:
0x0: {  	(pc) =	sbr.rel $0x88, $3  }
0x1: {  	(tag) =	ssettag $0x0;
	lr =	simm.s32 $0x1  }
0x2: {  	[smem:$0x3FA0] =	sst lr;
	_ =	strace $0xD0000000  }
0x3: {  	_ = 	snop  }
0x4: {  	_ = 	snop  }
0x5: {  	_ = 	snop  }
0x6: {  	_ = 	snop  }
0x7: {  	_ = 	snop  }
__scs_overlays_trampoline_lowered:
0x8: {  	[smem:$0x3FAF] =	sst s0  }
0x9: {  	[smem:$0x3FB0] =	sst s1  }
0xa: {  	[smem:$0x3FB1] =	sst s2  }
0xb: {  	[smem:$0x3FB2] =	sst s3  }
0xc: {  	[smem:$0x3FB3] =	sst s4  }
0xd: {  	[smem:$0x3FB4] =	sst s5  }
0xe: {  	[smem:$0x3FB5] =	sst s6  }
0xf: {  	[smem:$0x3FB6] =	sst s7  }
0x10: {  	[smem:$0x3FB7] =	sst s8  }
0x11: {  	[smem:$0x3FB8] =	sst s9;
	s0 =	simm.s32 @!p0 $0x0  }
0x12: {  	s1 =	sld [smem:$0x3F9E];
	s0 =	simm.s32 @p0 $0x1  }
0x13: {  	[smem:$0x3FB9] =	sst s0;
	s0 =	simm.s32 @!p1 $0x0  }
0x14: {  	s2 =	sld [smem:$0x3F9D];
	s0 =	simm.s32 @p1 $0x1  }
0x15: {  	[smem:$0x3FBA] =	sst s0;
	s0 =	simm.s32 @!p2 $0x0  }
0x16: {  	s3 =	sld [smem:$0x3FDB];
	s0 =	simm.s32 @p2 $0x1  }
0x17: {  	s4 =	simm.s32 $0x1BF5;
	[smem:$0x3FBC] =	sst s0  }
0x18: {  	s0 =	sld [smem:$0x3F9F];
	_ =	swait.ge [sflag:s4], $0x0  }
0x19: {  	s7 =	sld [smem:$0x3FA0]  }
0x1a: {  	s8 =	sadd.s32 $0xFFFFE003, lr  }
0x1b: {  	s9 =	sadd.s32 $0xFFFFFEF7, lr;
	s5 =	simm.s32 $0xFFFFFFFF;
	p2 =	slt.u32 s8, $0xFFFFF086  }
0x1c: {  	p1 =	slt.u32 s9, $0xF7A;
	s5 =	simm.s32 @!p2 $0x0  }
0x1d: {  	s5 =	simm.s32 @p1 $0x1;
	p0 =	seq.s32 s7, s2  }
0x1e: {  	s7 =	smul.u32 @!p0 $0xF7A, s2;
	p2 =	seq.s32 @!p0 s5, $0x0  }
0x1f: {  	s9 =	smul.u32 $0xF7A, s1;
	s8 =	simm.s32 @!p0 $0x1BF5;
	p2 =	por !p2, p0  }
0x20: {  	[sflag:s8] =	ssyncset.s32 @!p0 $0xFFFFF086;
	s6 =	sadd.s32 @!p0 s3, s7;
	s7 =	simm.s32 @!p0 $0x108  }
0x21: {  	s3 =	sadd.s32 s3, s9;
	s6 =	sadd.s32 @!p0 $0x88, s6;
	s7 =	simm.s32 @p2 $0x1082  }
0x22: {  	[simem:s7], [sflag:s8] =	dma.local @!p0 [hbm:s6], $0xF7A  }
0x23: {  	s9 =	sor.u32 $0xD0000000, s2;
	s6 =	simm.s32 $0x108;
	_ =	swait.ge @!p0 [sflag:s8], $0x0  }
0x24: {  	s3 =	sadd.s32 $0x88, s3;
	s6 =	simm.s32 @!p1 $0x1082;
	[sflag:s4] =	ssyncset.s32 $0xFFFFF086  }
0x25: {  	[simem:s6], [sflag:s4] =	dma.local [hbm:s3], $0xF7A  }
0x26: {  	[smem:$0x3FA0] =	sst s1;
	(tag) =	ssettag s2;
	_ =	strace s9  }
0x27: {  	s1 =	sld [smem:$0x3FB0]  }
0x28: {  	s2 =	sld [smem:$0x3FB1]  }
0x29: {  	s4 =	sld [smem:$0x3FB3]  }
0x2a: {  	p0 =	seq.s32 s5, $0x0;
	s5 =	sld [smem:$0x3FB4]  }
0x2b: {  	s6 =	sld [smem:$0x3FB5]  }
0x2c: {  	s7 =	sld [smem:$0x3FB6]  }
0x2d: {  	s3 =	simm.s32 $0x108;
	s8 =	sld [smem:$0x3FB7]  }
0x2e: {  	s3 =	simm.s32 @!p0 $0x1082;
	s9 =	sld [smem:$0x3FB8]  }
0x2f: {  	lr =	sadd.s32 s0, s3;
	s0 =	sld [smem:$0x3FAF]  }
0x30: {  	s3 =	sld [smem:$0x3FB2]  }
0x31: {  	[smem:$0x3FBB] =	sst s10  }
0x32: {  	s10 =	sld [smem:$0x3FB9];
	_ =	sdelay $0x3  }
0x33: {  	p0 =	seq.s32 s10, $0x1;
	s10 =	sld [smem:$0x3FBB];
	_ =	sdelay $0x3  }
0x34: {  	[smem:$0x3FBB] =	sst s10  }
0x35: {  	s10 =	sld [smem:$0x3FBA];
	_ =	sdelay $0x3  }
0x36: {  	p1 =	seq.s32 s10, $0x1;
	s10 =	sld [smem:$0x3FBB];
	_ =	sdelay $0x3  }
0x37: {  	[smem:$0x3FBB] =	sst s10  }
0x38: {  	s10 =	sld [smem:$0x3FBC]  }
0x39: {  	_ = 	snop;
	(pc) =	sbr.ind lr, $3  }
0x3a: {  	_ = 	snop  }
0x3b: {  	_ = 	snop  }
0x3c: {  	p2 =	seq.s32 s10, $0x1;
	s10 =	sld [smem:$0x3FBB]  }
0x3d: {  	_ =	shalt  }
0x3e: {  	_ =	shalt  }
0x3f: {  	_ =	shalt  }
0x40: {  	_ =	shalt  }
0x41: {  	_ =	shalt  }
0x42: {  	_ =	shalt  }
0x43: {  	_ =	shalt  }
0x44: {  	_ =	shalt  }
0x45: {  	_ =	shalt  }
0x46: {  	_ =	shalt  }
0x47: {  	_ =	shalt  }
0x48: {  	_ =	shalt  }
0x49: {  	_ =	shalt  }
0x4a: {  	_ =	shalt  }
0x4b: {  	_ =	shalt  }
0x4c: {  	_ =	shalt  }
0x4d: {  	_ =	shalt  }
0x4e: {  	_ =	shalt  }
0x4f: {  	_ =	shalt  }
0x50: {  	_ =	shalt  }
0x51: {  	_ =	shalt  }
0x52: {  	_ =	shalt  }
0x53: {  	_ =	shalt  }
0x54: {  	_ =	shalt  }
0x55: {  	_ =	shalt  }
0x56: {  	_ =	shalt  }
0x57: {  	_ =	shalt  }
0x58: {  	_ =	shalt  }
0x59: {  	_ =	shalt  }
0x5a: {  	_ =	shalt  }
0x5b: {  	_ =	shalt  }
0x5c: {  	_ =	shalt  }
0x5d: {  	_ =	shalt  }
0x5e: {  	_ =	shalt  }
0x5f: {  	_ =	shalt  }
0x60: {  	_ =	shalt  }
0x61: {  	_ =	shalt  }
0x62: {  	_ =	shalt  }
0x63: {  	_ =	shalt  }
0x64: {  	_ =	shalt  }
0x65: {  	_ =	shalt  }
0x66: {  	_ =	shalt  }
0x67: {  	_ =	shalt  }
0x68: {  	_ =	shalt  }
0x69: {  	_ =	shalt  }
0x6a: {  	_ =	shalt  }
0x6b: {  	_ =	shalt  }
0x6c: {  	_ =	shalt  }
0x6d: {  	_ =	shalt  }
0x6e: {  	_ =	shalt  }
0x6f: {  	_ =	shalt  }
0x70: {  	_ =	shalt  }
0x71: {  	_ =	shalt  }
0x72: {  	_ =	shalt  }
0x73: {  	_ =	shalt  }
0x74: {  	_ =	shalt  }
0x75: {  	_ =	shalt  }
0x76: {  	_ =	shalt  }
0x77: {  	_ =	shalt  }
0x78: {  	_ =	shalt  }
0x79: {  	_ =	shalt  }
0x7a: {  	_ =	shalt  }
0x7b: {  	_ =	shalt  }
0x7c: {  	_ =	shalt  }
0x7d: {  	_ =	shalt  }
0x7e: {  	_ =	shalt  }
0x7f: {  	_ =	shalt  }
0x80: {  	_ =	shalt  }
0x81: {  	_ =	shalt  }
0x82: {  	_ =	shalt  }
0x83: {  	_ =	shalt  }
0x84: {  	_ =	shalt  }
0x85: {  	_ =	shalt  }
0x86: {  	_ =	shalt  }
0x87: {  	_ =	shalt  }
.Lfunc_end0:
.L_simem_size_0:
called_computation_lowered:
.L_overlay_start_0:
0x88: {  	s2 =	sld [smem:$0x3FD9]  }
0x89: {  	s3 =	sld [smem:$0x3FFE];
	_ =	sdelay $0x1  }
0x8a: {  	s1 =	srdreg.scid  }
0x8b: {  	s0 =	sand.u32 $0x1, s1  }
0x8c: {  	s17 =	sshll.u32 s0, $0xA;
	s2 =	sadd.s32 s3, s2  }
0x8d: {  	s2 =	sadd.s32 s2, s17  }
0x8e: {  	[smem:$0x3FC7] =	sst s2  }
0x8f: {  	_ = 	snop  }
0x90: {  	s2 =	sld [smem:$0x3FC9];
	(tm) =	ssettm $0x1  }
0x91: {  	s18 =	sld [smem:$0x3FFB];
	_ =	sdelay $0x3  }
0x92: {  	_ =	strace s18  }
0x93: {  	s3 =	sld [smem:$0x3FFC];
	_ =	sdelay $0x3  }
0x94: {  	_ =	strace s3  }
0x95: {  	s3 =	sld [smem:$0x3FFD];
	_ =	sdelay $0x3  }
0x96: {  	_ =	strace s3  }
0x97: {  	_ =	strace $0x8FFFFFFF  }
0x98: {  	s19 =	sld [smem:$0x3FDB];
	_ =	sdelay $0x1  }
0x99: {  	s4 =	simm.s32 $_scs_section_size  }
0x9a: {  	s5 =	simm.s32 $_size__tile_overlayer_lowered;
	s6 =	simm.s32 $_tile_overlayer_lowered  }
0x9b: {  	s22 =	simm.s32 $0x1BFF;
	s21 =	sshll.u32 s6, $0x1;
	s3 =	sadd.s32 s4, s19  }
0x9c: {  	s7 =	simm.s32 $0x0;
	s20 =	sshll.u32 s5, $0x1;
	s5 =	sadd.s32 s21, s3  }
0x9d: {  	[timem:s7], [sflag:s22] =	dma.local [hbm:s5], s20  }
0x9e: {  	_ =	swait.ge [sflag:s22], s20  }
0x9f: {  	s4 =	ssub.s32 $0x0, s20;
	[sflag:s22] =	ssyncset.done $0x0  }
0xa0: {  	[sflag:s22] =	ssyncadd.s32 s4;
	_ =	sdelay $0x1  }
0xa1: {  	s23 =	simm.s32 $0x1B8B  }
0xa2: {  	_ =	swait.ge [sflag:s23], $0x1  }
0xa3: {  	[sflag:s23] =	ssyncset.done $0x0  }
0xa4: {  	s25 =	simm.s32 $0x1B8E;
	s24 =	sld [smem:$0x3FFE];
	[sflag:s23] =	ssyncadd.s32 $0xFFFFFFFF  }
0xa5: {  	s26 =	simm.s32 $execute0_lowered;
	[smem:$0x3FD2] =	sst s25  }
0xa6: {  	s5 =	sshll.u32 s26, $0x1;
	_ =	strace $0x80000046;
	[dreg:$0x1] =	wrdreg $0xFFFFFFFF  }
0xa7: {  	s28 =	simm.s32 $_size_execute0_lowered;
	s3 =	sadd.s32 s3, s5;
	[dreg:$0x0] =	wrdreg $0x0  }
0xa8: {  	s5 =	sshll.u32 s28, $0x1;
	[dreg:$0x2] =	wrdreg s3  }
0xa9: {  	[dreg:$0x3] =	wrdreg s5  }
0xaa: {  	[dreg:$0x4] =	wrdreg $0xC0  }
0xab: {  	_ =	task [dreg:s7], $0x5FFFF  }
0xac: {  	[dreg:$0x1] =	wrdreg $0xFFFFFFFF  }
0xad: {  	[dreg:$0x0] =	wrdreg $0x60  }
0xae: {  	[dreg:$0x2] =	wrdreg s2  }
0xaf: {  	[dreg:$0x3] =	wrdreg s24  }
0xb0: {  	[dreg:$0x4] =	wrdreg $0x9  }
0xb1: {  	_ =	task.clear_ibuf [dreg:s7], $0x5FFFF;
	_ =	strace $0x90000046  }
0xb2: {  	s29 =	simm.s32 $0x9;
	_ =	strace $0x80000048  }
0xb3: {  	_ =	swait.ge [sflag:s29], $0x1  }
0xb4: {  	[sflag:s29] =	ssyncadd.s32 $0xFFFFFFFF  }
0xb5: {  	_ =	strace $0x90000048  }
0xb6: {  	_ =	sfence  }
0xb7: {  	s30 =	sld [smem:$0x0];
	_ =	sdelay $0x2  }
0xb8: {  	s31 =	sshll.u32 s1, $0xD;
	s1 =	sshrl.u32 s1, $0x2  }
0xb9: {  	s3 =	sand.u32 $0x4000, s31;
	s1 =	sadd.s32 s1, s30  }
0xba: {  	s0 =	sor.u32 s3, s0;
	s1 =	sshll.u32 s1, $0x11  }
0xbb: {  	s0 =	sor.u32 s1, s0  }
0xbc: {  	s0 =	sadd.s32 $0x8F2B, s0  }
0xbd: {  	[sflag:s0] =	ssyncadd.remote.s32 $0x1  }
0xbe: {  	_ =	sfence.sel $0xFFFF  }
0xbf: {  	[dreg:$0x0] =	wrdreg $0xFFFFFFFF;
	(pc) =	sbr.abs _section_cstart, $3  }
0xc0: {  	[dreg:$0x1] =	wrdreg $0xFFFFFFFF  }
0xc1: {  	_ =	task.clear_ibuf [dreg:s7], $0x2FFFF;
	_ =	strace $0x9FFFFFFF  }
0xc2: {  	(tm) =	ssettm $0x7FFFFFFF  }
0xc3: {  	_ =	shalt  }
tec
execute0_lowered:
.L_overlay_start_1:
0x0: {  	(tag) =	ssettag $0x1  }
0x1: {  	s6 =	rddreg [dreg:$0x0]  }
0x2: {  	s3 =	rddreg [dreg:$0x1]  }
0x3: {  	s0 =	rddreg [dreg:$0x2];
	s4 =	srdreg.scid  }
0x4: {  	s1 =	stileid.u32;
	s2 =	simm.s32 $0x0;
	s11 =	simm.s32 $0x400  }
0x5: {  	s12 =	simm.s32 $0x2000;
	s13 =	simm.s32 $0x4000;
	s14 =	simm.s32 $0x6000  }
0x6: {  	s15 =	simm.s32 $0x8000;
	s16 =	simm.s32 $0x2;
	s17 =	simm.s32 $0x3  }
0x7: {  	s18 =	simm.s32 $0x4;
	s19 =	simm.s32 $0x5;
	s20 =	simm.s32 $0x1  }
0x8: {  	s21 =	simm.s32 $0x10000;
	s22 =	simm.s32 $0x6;
	s23 =	simm.s32 $0x0  }
0x9: {  	s4 =	sand.u32 $0x1, s4;
	s5 =	sshll.u32 s1, $0x1;
	[smem:$0x7FF] =	sst s2  }
0xa: {  	s5 =	sor.u32 s4, s5;
	_ =	strace $0x80000047;
	s4 =	ssub.s32 $0x2, s4  }
0xb: {  	s7 =	sshll.u32 s5, $0x4;
	s8 =	sshll.u32 s5, $0x8;
	s5 =	sshll.u32 s5, $0x10  }
0xc: {  	s31 =	sshrl.u32 s4, $0x1;
	s9 =	sadd.s32 s7, s3;
	s29 =	sor.u32 s8, s5  }
0xd: {  	s30 =	sand.u32 $0x300, s8;
	s10 =	ssub.s32 s4, s31;
	s3 =	sand.u32 $0x1C0300, s29  }
0xe: {  	s5 =	sor.u32 s5, s30;
	s8 =	sadd.s32 $0x600, s9;
	s3 =	sshrl.u32 s3, $0x3  }
0xf: {  	s9 =	smax.u32 s10, $0x1;
	s7 =	sshrl.u32 s5, $0x3;
	s3 =	sadd.s32 s6, s3  }
0x10: {  	vm0 =	vcmask $0x318;
	vm1 =	vcmask $0x718;
	s10 =	simm.s32 $0x80;
	s7 =	sor.u32 $0x6000, s7;
	s4 =	sadd.s32 $0x2000, s3  }
0x11: {  	vm2 =	vcmask $0xB18;
	vm3 =	vcmask $0xF18;
	vm4 =	vcmask $0x1318;
	s5 =	sadd.s32 $0x4000, s3;
	s6 =	sadd.s32 s6, s7;
	s7 =	sadd.s32 $0x10, s3  }
.LBB2_1:
0x12: {  	[tilespmem:s2], [sflag:$0x2] =	stream.strided.gather [hbm4b:s3+s10], $0x2000, s11, s10, $0x38;
	[tilespmem:$0x10080] =	vst v63  }
0x13: {  	_ = 	snop  }
0x14: {  	[tilespmem:s12], [sflag:$0x3] =	stream.strided.gather [hbm4b:s4+s10], $0x2000, s11, s10, $0x38;
	[tilespmem:$0x10080] =	vst v63  }
0x15: {  	_ = 	snop  }
0x16: {  	[tilespmem:s13], [sflag:$0x4] =	stream.strided.gather [hbm4b:s5+s10], $0x2000, s11, s10, $0x38;
	[tilespmem:$0x10080] =	vst v63  }
0x17: {  	_ = 	snop  }
0x18: {  	[tilespmem:s14], [sflag:$0x5] =	stream.strided.gather [hbm4b:s6+s10], $0x2000, s11, s10, $0x38;
	[tilespmem:$0x10080] =	vst v63  }
0x19: {  	_ = 	snop  }
0x1a: {  	[tilespmem:s15], [sflag:$0x1] =	stream.strided.gather [hbm4b:s7+s10], $0x8000, s11, s10, $0x38;
	[tilespmem:$0x10080] =	vst v63  }
0x1b: {  	_ =	swait.ge [sflag:s16], $0x2000  }
0x1c: {  	[sflag:s16] =	ssyncset.done $0x0  }
0x1d: {  	s24 =	simm.s32 $0x0;
	[sflag:s16] =	ssyncadd.s32 $0xFFFFE000  }
0x1e: {  	v17 =	vld [tilespmem:s24+$0x70]  }
0x1f: {  	v0 =	vld [tilespmem:s24+$0x0]  }
0x20: {  	v19 =	vimm.f32 $-Inf;
	v1 =	vld [tilespmem:s24+$0x10]  }
0x21: {  	v29 =	vimm.f32 $-Inf;
	v30 =	vimm.f32 $-Inf;
	v31 =	vimm.f32 $-Inf;
	v2 =	vld [tilespmem:s24+$0x20]  }
0x22: {  	v33 =	vimm.f32 $-Inf;
	v32 =	vimm.f32 $-Inf;
	v24 =	vimm.f32 $-Inf;
	v3 =	vld [tilespmem:s24+$0x30]  }
0x23: {  	v25 =	vimm.f32 $-Inf;
	v26 =	vimm.f32 $-Inf;
	v21 =	vimm.f32 $-Inf;
	v4 =	vld [tilespmem:s24+$0x40]  }
0x24: {  	v22 =	vimm.f32 $-Inf;
	v23 =	vimm.f32 $-Inf;
	v27 =	vimm.f32 $-Inf;
	v18 =	vld [tilespmem:s24+$0x60]  }
0x25: {  	v28 =	vimm.f32 $-Inf;
	v20 =	vimm.f32 $-Inf;
	v16 =	vmin.f32 v19, v17  }
0x26: {  	v7 =	vmax.f32 v19, v0;
	v5 =	vmin.f32 v19, v0;
	v10 =	vmax.f32 v19, v1  }
0x27: {  	v0 =	vld [tilespmem:s24+$0x50];
	v34 =	vmin.f32 v19, v1;
	v11 =	vmax.f32 v19, v2;
	v35 =	vmin.f32 v19, v2  }
0x28: {  	v12 =	vmax.f32 v19, v3;
	v36 =	vmin.f32 v19, v3;
	v13 =	vmax.f32 v19, v4  }
0x29: {  	v37 =	vmin.f32 v19, v4;
	v8 =	vmax.f32 v19, v18;
	v38 =	vmin.f32 v19, v18  }
0x2a: {  	v6 =	vmin.f32 v19, v16;
	v15 =	vmax.f32 v19, v5;
	v1 =	vmax.f32 v19, v34  }
0x2b: {  	v2 =	vmax.f32 v19, v35;
	v3 =	vmax.f32 v19, v36;
	v4 =	vmax.f32 v19, v37  }
0x2c: {  	v39 =	vmin.f32 v19, v5;
	v9 =	vmax.f32 v19, v0;
	v0 =	vmin.f32 v19, v0  }
0x2d: {  	s25 =	simm.s32 $0x400;
	s24 =	simm.s32 $0x80;
	v14 =	vmax.f32 v19, v6;
	v6 =	vmax.f32 v19, v38;
	v18 =	vmovc v15;
	v5 =	vmax.f32 v19, v0  }
.LBB2_2:
0x2e: {  	p0 =	sne.s32 s25, $0x7E00;
	v40 =	vld [tilespmem:s24+$0x70];
	v34 =	vmin.f32 v19, v34;
	v35 =	vmin.f32 v29, v35;
	v36 =	vmin.f32 v30, v36;
	v19 =	vmovc v1  }
0x2f: {  	v42 =	vmin.f32 v31, v37;
	v0 =	vmin.f32 v33, v0;
	v32 =	vmin.f32 v32, v38;
	v29 =	vmovc v2;
	v41 =	vld [tilespmem:s24+$0x0]  }
0x30: {  	v24 =	vmax.f32 v24, v39;
	v30 =	vmovc v3;
	v25 =	vmax.f32 v25, v34;
	v26 =	vmax.f32 v26, v35;
	v37 =	vld [tilespmem:s24+$0x10]  }
0x31: {  	v31 =	vmovc v4;
	v21 =	vmax.f32 v21, v36;
	v22 =	vmax.f32 v22, v42;
	v23 =	vmax.f32 v23, v0;
	v38 =	vld [tilespmem:s24+$0x20]  }
0x32: {  	v28 =	vmax.f32 v28, v17;
	v33 =	vmovc v5;
	v27 =	vmax.f32 v27, v32;
	v32 =	vmov v6;
	v0 =	vld [tilespmem:s24+$0x30]  }
0x33: {  	v20 =	vmax.f32 v20, v16;
	v39 =	vld [tilespmem:s24+$0x40];
	v16 =	vmin.f32 v28, v40;
	v17 =	vmov v40  }
0x34: {  	v40 =	vmin.f32 v7, v41;
	v7 =	vmax.f32 v7, v41;
	v41 =	vld [tilespmem:s24+$0x50];
	v35 =	vmin.f32 v20, v16  }
0x35: {  	v34 =	vmin.f32 v10, v37;
	v10 =	vmax.f32 v10, v37;
	v42 =	vld [tilespmem:s24+$0x60];
	v14 =	vmax.f32 v14, v35  }
0x36: {  	v15 =	vmax.f32 v15, v40;
	v35 =	vmin.f32 v11, v38;
	v11 =	vmax.f32 v11, v38  }
.Ltmp0:
0x37: {  	v1 =	vmax.f32 v1, v34;
	v36 =	vmin.f32 v12, v0;
	v12 =	vmax.f32 v12, v0;
	(pc) =	sbr.rel @p0 .LBB2_2-.Ltmp0, $4  }
0x38: {  	v2 =	vmax.f32 v2, v35;
	v37 =	vmin.f32 v13, v39;
	v13 =	vmax.f32 v13, v39  }
0x39: {  	v3 =	vmax.f32 v3, v36;
	v0 =	vmin.f32 v9, v41;
	v9 =	vmax.f32 v9, v41  }
0x3a: {  	v4 =	vmax.f32 v4, v37;
	v38 =	vmin.f32 v8, v42;
	v8 =	vmax.f32 v8, v42  }
0x3b: {  	s24 =	sshra.s32 s25, $0x2;
	s25 =	sadd.s32 $0x200, s25;
	v39 =	vmin.f32 v18, v40;
	v18 =	vmovc v15;
	v5 =	vmax.f32 v5, v0;
	v6 =	vmax.f32 v6, v38  }
0x3c: {  	v40 =	vld [tilespmem:s24+$0x70]  }
0x3d: {  	v55 =	vld [tilespmem:s24+$0x0]  }
0x3e: {  	v19 =	vmin.f32 v19, v34;
	v29 =	vmin.f32 v29, v35;
	v56 =	vld [tilespmem:s24+$0x10]  }
0x3f: {  	v30 =	vmin.f32 v30, v36;
	v31 =	vmin.f32 v31, v37;
	v17 =	vmax.f32 v28, v17;
	v28 =	vld [tilespmem:s24+$0x50]  }
0x40: {  	v0 =	vmin.f32 v33, v0;
	v32 =	vmin.f32 v32, v38;
	v24 =	vmax.f32 v24, v39;
	v59 =	vld [tilespmem:s24+$0x60]  }
0x41: {  	v20 =	vmax.f32 v20, v16;
	v19 =	vmax.f32 v25, v19;
	v25 =	vmax.f32 v26, v29;
	v26 =	vld [tilespmem:s24+$0x20]  }
0x42: {  	v21 =	vmax.f32 v21, v30;
	v29 =	vmax.f32 v22, v31;
	v0 =	vmax.f32 v23, v0;
	v22 =	vld [tilespmem:s24+$0x30]  }
0x43: {  	v27 =	vmax.f32 v27, v32;
	v23 =	vld [tilespmem:s24+$0x40];
	v30 =	vmin.f32 v17, v40;
	v31 =	vmax.f32 v7, v55  }
0x44: {  	v16 =	vmin.f32 v7, v55;
	v57 =	vmax.f32 v10, v56;
	v58 =	vmin.f32 v10, v56  }
0x45: {  	v41 =	vmax.f32 v9, v28;
	v9 =	vmin.f32 v9, v28;
	v42 =	vmax.f32 v8, v59  }
0x46: {  	v7 =	vmin.f32 v20, v30;
	v60 =	vmax.f32 v15, v16;
	v61 =	vmax.f32 v11, v26  }
0x47: {  	_ =	swait.ge [sflag:s17], $0x2000;
	v15 =	vmin.f32 v11, v26;
	v62 =	vmax.f32 v12, v22;
	v12 =	vmin.f32 v12, v22  }
0x48: {  	[sflag:s17] =	ssyncset.done $0x0;
	v63 =	vmax.f32 v13, v23;
	v13 =	vmin.f32 v13, v23;
	v22 =	vmin.f32 v8, v59  }
0x49: {  	s31 =	simm.s32 $0x0;
	[sflag:s17] =	ssyncadd.s32 $0xFFFFE000;
	v16 =	vmin.f32 v18, v16;
	v33 =	vmax.f32 v5, v9;
	v5 =	vmin.f32 v5, v9  }
0x4a: {  	v8 =	vld [tilespmem:s31+$0x2070];
	v14 =	vmax.f32 v14, v7;
	v7 =	vmax.f32 v1, v58;
	v10 =	vmax.f32 v2, v15  }
0x4b: {  	v9 =	vld [tilespmem:s31+$0x2010];
	v11 =	vmax.f32 v3, v12;
	v28 =	vmax.f32 v4, v13;
	v32 =	vmax.f32 v6, v22  }
0x4c: {  	v1 =	vmin.f32 v1, v58;
	v2 =	vmin.f32 v2, v15;
	v3 =	vmin.f32 v3, v12;
	v12 =	vld [tilespmem:s31+$0x2000]  }
0x4d: {  	v4 =	vmin.f32 v4, v13;
	v6 =	vmin.f32 v6, v22;
	v22 =	vmax.f32 v19, v1;
	v1 =	vld [tilespmem:s31+$0x2020]  }
0x4e: {  	v15 =	vmax.f32 v24, v16;
	v13 =	vmax.f32 v20, v30;
	v23 =	vmax.f32 v25, v2;
	v2 =	vld [tilespmem:s31+$0x2030]  }
0x4f: {  	v16 =	vmax.f32 v21, v3;
	v24 =	vmax.f32 v29, v4;
	v4 =	vmax.f32 v17, v40;
	v3 =	vld [tilespmem:s31+$0x2040]  }
0x50: {  	v25 =	vmax.f32 v0, v5;
	v29 =	vmax.f32 v27, v6;
	v5 =	vld [tilespmem:s31+$0x2050];
	v30 =	vmin.f32 v4, v8  }
0x51: {  	v18 =	vmax.f32 v57, v9;
	v34 =	vmin.f32 v57, v9;
	v0 =	vmin.f32 v13, v30  }
0x52: {  	v9 =	vld [tilespmem:s31+$0x2060];
	v17 =	vmax.f32 v31, v12;
	v6 =	vmin.f32 v31, v12;
	v26 =	vmax.f32 v14, v0  }
0x53: {  	v27 =	vmax.f32 v60, v6;
	v19 =	vmax.f32 v61, v1;
	v0 =	vmin.f32 v61, v1  }
0x54: {  	v1 =	vmax.f32 v7, v34;
	v20 =	vmax.f32 v62, v2;
	v35 =	vmin.f32 v62, v2  }
0x55: {  	v21 =	vmax.f32 v63, v3;
	v36 =	vmin.f32 v63, v3;
	v14 =	vmax.f32 v41, v5  }
0x56: {  	v37 =	vmin.f32 v41, v5;
	v39 =	vmin.f32 v60, v6;
	v2 =	vmax.f32 v10, v0  }
0x57: {  	v3 =	vmax.f32 v11, v35;
	v5 =	vmax.f32 v28, v36;
	v38 =	vmin.f32 v42, v9  }
0x58: {  	s25 =	simm.s32 $0x400;
	s24 =	simm.s32 $0x80;
	v6 =	vmax.f32 v33, v37;
	v31 =	vmovc v27;
	v12 =	vmax.f32 v42, v9;
	v9 =	vmax.f32 v32, v38  }
.LBB2_4:
0x59: {  	p0 =	sne.s32 s25, $0x7E00;
	v40 =	vld [tilespmem:s24+$0x2070];
	v34 =	vmin.f32 v7, v34;
	v0 =	vmin.f32 v10, v0;
	v35 =	vmin.f32 v11, v35;
	v7 =	vmovc v1  }
0x5a: {  	v42 =	vmin.f32 v28, v36;
	v33 =	vmin.f32 v33, v37;
	v32 =	vmin.f32 v32, v38;
	v10 =	vmovc v2;
	v41 =	vld [tilespmem:s24+$0x2000]  }
0x5b: {  	v15 =	vmax.f32 v15, v39;
	v11 =	vmovc v3;
	v22 =	vmax.f32 v22, v34;
	v23 =	vmax.f32 v23, v0;
	v36 =	vld [tilespmem:s24+$0x2010]  }
0x5c: {  	v28 =	vmovc v5;
	v16 =	vmax.f32 v16, v35;
	v24 =	vmax.f32 v24, v42;
	v25 =	vmax.f32 v25, v33;
	v37 =	vld [tilespmem:s24+$0x2020]  }
0x5d: {  	v4 =	vmax.f32 v4, v8;
	v29 =	vmax.f32 v29, v32;
	v33 =	vmovc v6;
	v32 =	vmov v9;
	v38 =	vld [tilespmem:s24+$0x2030]  }
0x5e: {  	v13 =	vmax.f32 v13, v30;
	v39 =	vld [tilespmem:s24+$0x2040];
	v30 =	vmin.f32 v4, v40;
	v8 =	vmov v40  }
0x5f: {  	v40 =	vmin.f32 v17, v41;
	v17 =	vmax.f32 v17, v41;
	v41 =	vld [tilespmem:s24+$0x2050];
	v0 =	vmin.f32 v13, v30  }
0x60: {  	v34 =	vmin.f32 v18, v36;
	v18 =	vmax.f32 v18, v36;
	v42 =	vld [tilespmem:s24+$0x2060];
	v26 =	vmax.f32 v26, v0  }
0x61: {  	v27 =	vmax.f32 v27, v40;
	v0 =	vmin.f32 v19, v37;
	v19 =	vmax.f32 v19, v37  }
.Ltmp1:
0x62: {  	v1 =	vmax.f32 v1, v34;
	v35 =	vmin.f32 v20, v38;
	v20 =	vmax.f32 v20, v38;
	(pc) =	sbr.rel @p0 .LBB2_4-.Ltmp1, $4  }
0x63: {  	v2 =	vmax.f32 v2, v0;
	v36 =	vmin.f32 v21, v39;
	v21 =	vmax.f32 v21, v39  }
0x64: {  	v3 =	vmax.f32 v3, v35;
	v37 =	vmin.f32 v14, v41;
	v14 =	vmax.f32 v14, v41  }
0x65: {  	v5 =	vmax.f32 v5, v36;
	v38 =	vmin.f32 v12, v42;
	v12 =	vmax.f32 v12, v42  }
0x66: {  	s24 =	sshra.s32 s25, $0x2;
	s25 =	sadd.s32 $0x200, s25;
	v39 =	vmin.f32 v31, v40;
	v31 =	vmovc v27;
	v6 =	vmax.f32 v6, v37;
	v9 =	vmax.f32 v9, v38  }
0x67: {  	v40 =	vld [tilespmem:s24+$0x2070]  }
0x68: {  	v7 =	vmin.f32 v7, v34;
	v0 =	vmin.f32 v10, v0;
	v10 =	vld [tilespmem:s24+$0x2000]  }
0x69: {  	v11 =	vmin.f32 v11, v35;
	v28 =	vmin.f32 v28, v36;
	v33 =	vmin.f32 v33, v37;
	v58 =	vld [tilespmem:s24+$0x2010]  }
0x6a: {  	v32 =	vmin.f32 v32, v38;
	v15 =	vmax.f32 v15, v39;
	v59 =	vmax.f32 v4, v8;
	v8 =	vld [tilespmem:s24+$0x2040]  }
0x6b: {  	v13 =	vmax.f32 v13, v30;
	v22 =	vmax.f32 v22, v7;
	v0 =	vmax.f32 v23, v0;
	v7 =	vld [tilespmem:s24+$0x2020]  }
0x6c: {  	v16 =	vmax.f32 v16, v11;
	v24 =	vmax.f32 v24, v28;
	v25 =	vmax.f32 v25, v33;
	v11 =	vld [tilespmem:s24+$0x2030]  }
0x6d: {  	v29 =	vmax.f32 v29, v32;
	v23 =	vld [tilespmem:s24+$0x2060];
	v60 =	vmin.f32 v59, v40;
	v61 =	vmax.f32 v17, v10  }
0x6e: {  	v10 =	vmin.f32 v17, v10;
	v62 =	vmax.f32 v18, v58;
	v18 =	vmin.f32 v18, v58  }
0x6f: {  	v43 =	vmax.f32 v21, v8;
	v21 =	vmin.f32 v21, v8;
	v4 =	vmin.f32 v13, v60  }
0x70: {  	v17 =	vld [tilespmem:s24+$0x2050];
	_ =	swait.ge [sflag:s18], $0x2000;
	v63 =	vmax.f32 v27, v10;
	v41 =	vmax.f32 v19, v7;
	v19 =	vmin.f32 v19, v7  }
0x71: {  	v42 =	vmax.f32 v20, v11;
	v20 =	vmin.f32 v20, v11;
	v28 =	vmax.f32 v5, v21;
	[sflag:s18] =	ssyncset.done $0x0  }
0x72: {  	s31 =	simm.s32 $0x0;
	v45 =	vmax.f32 v12, v23;
	v12 =	vmin.f32 v12, v23;
	v10 =	vmin.f32 v31, v10;
	[sflag:s18] =	ssyncadd.s32 $0xFFFFE000  }
0x73: {  	v5 =	vmin.f32 v5, v21;
	v13 =	vmax.f32 v13, v60;
	v26 =	vmax.f32 v26, v4;
	v8 =	vld [tilespmem:s31+$0x4070]  }
0x74: {  	v4 =	vmax.f32 v1, v18;
	v7 =	vmax.f32 v2, v19;
	v1 =	vmin.f32 v1, v18;
	v18 =	vld [tilespmem:s31+$0x4000]  }
0x75: {  	v11 =	vmax.f32 v3, v20;
	v2 =	vmin.f32 v2, v19;
	v15 =	vmax.f32 v15, v10;
	v10 =	vld [tilespmem:s31+$0x4010]  }
0x76: {  	v32 =	vmax.f32 v9, v12;
	v3 =	vmin.f32 v3, v20;
	v23 =	vmax.f32 v0, v2;
	v0 =	vld [tilespmem:s31+$0x4020]  }
0x77: {  	v9 =	vmin.f32 v9, v12;
	v24 =	vmax.f32 v24, v5;
	v16 =	vmax.f32 v16, v3;
	v3 =	vld [tilespmem:s31+$0x4030]  }
0x78: {  	v22 =	vmax.f32 v22, v1;
	v5 =	vld [tilespmem:s31+$0x4040];
	v44 =	vmax.f32 v14, v17;
	v14 =	vmin.f32 v14, v17  }
0x79: {  	v2 =	vmax.f32 v59, v40;
	v33 =	vmax.f32 v6, v14;
	v6 =	vmin.f32 v6, v14  }
0x7a: {  	v29 =	vmax.f32 v29, v9;
	v25 =	vmax.f32 v25, v6;
	v30 =	vmin.f32 v2, v8  }
0x7b: {  	v6 =	vld [tilespmem:s31+$0x4050];
	v17 =	vmax.f32 v61, v18;
	v9 =	vmin.f32 v61, v18;
	v18 =	vmax.f32 v62, v10  }
0x7c: {  	v34 =	vmin.f32 v62, v10;
	v10 =	vld [tilespmem:s31+$0x4060];
	v19 =	vmax.f32 v41, v0;
	v0 =	vmin.f32 v41, v0  }
0x7d: {  	v20 =	vmax.f32 v42, v3;
	v35 =	vmin.f32 v42, v3;
	v21 =	vmax.f32 v43, v5  }
0x7e: {  	v36 =	vmin.f32 v43, v5;
	v1 =	vmin.f32 v13, v30;
	v27 =	vmax.f32 v63, v9  }
0x7f: {  	v3 =	vmax.f32 v7, v0;
	v5 =	vmax.f32 v11, v35;
	v39 =	vmin.f32 v63, v9  }
0x80: {  	v26 =	vmax.f32 v26, v1;
	v1 =	vmax.f32 v4, v34;
	v14 =	vmax.f32 v44, v6  }
0x81: {  	v37 =	vmin.f32 v44, v6;
	v6 =	vmax.f32 v28, v36;
	v38 =	vmin.f32 v45, v10  }
0x82: {  	s25 =	simm.s32 $0x400;
	s24 =	simm.s32 $0x80;
	v31 =	vmovc v27;
	v12 =	vmax.f32 v45, v10;
	v9 =	vmax.f32 v33, v37;
	v10 =	vmax.f32 v32, v38  }
.LBB2_6:
0x83: {  	p0 =	sne.s32 s25, $0x7E00;
	v40 =	vld [tilespmem:s24+$0x4070];
	v34 =	vmin.f32 v4, v34;
	v0 =	vmin.f32 v7, v0;
	v35 =	vmin.f32 v11, v35;
	v4 =	vmovc v1  }
0x84: {  	v42 =	vmin.f32 v28, v36;
	v33 =	vmin.f32 v33, v37;
	v32 =	vmin.f32 v32, v38;
	v7 =	vmovc v3;
	v41 =	vld [tilespmem:s24+$0x4000]  }
0x85: {  	v15 =	vmax.f32 v15, v39;
	v11 =	vmovc v5;
	v22 =	vmax.f32 v22, v34;
	v23 =	vmax.f32 v23, v0;
	v36 =	vld [tilespmem:s24+$0x4010]  }
0x86: {  	v28 =	vmovc v6;
	v16 =	vmax.f32 v16, v35;
	v24 =	vmax.f32 v24, v42;
	v25 =	vmax.f32 v25, v33;
	v37 =	vld [tilespmem:s24+$0x4020]  }
0x87: {  	v2 =	vmax.f32 v2, v8;
	v29 =	vmax.f32 v29, v32;
	v33 =	vmovc v9;
	v32 =	vmov v10;
	v38 =	vld [tilespmem:s24+$0x4030]  }
0x88: {  	v13 =	vmax.f32 v13, v30;
	v39 =	vld [tilespmem:s24+$0x4040];
	v30 =	vmin.f32 v2, v40;
	v8 =	vmov v40  }
0x89: {  	v40 =	vmin.f32 v17, v41;
	v17 =	vmax.f32 v17, v41;
	v41 =	vld [tilespmem:s24+$0x4050];
	v0 =	vmin.f32 v13, v30  }
0x8a: {  	v34 =	vmin.f32 v18, v36;
	v18 =	vmax.f32 v18, v36;
	v42 =	vld [tilespmem:s24+$0x4060];
	v26 =	vmax.f32 v26, v0  }
0x8b: {  	v27 =	vmax.f32 v27, v40;
	v0 =	vmin.f32 v19, v37;
	v19 =	vmax.f32 v19, v37  }
.Ltmp2:
0x8c: {  	v1 =	vmax.f32 v1, v34;
	v35 =	vmin.f32 v20, v38;
	v20 =	vmax.f32 v20, v38;
	(pc) =	sbr.rel @p0 .LBB2_6-.Ltmp2, $4  }
0x8d: {  	v3 =	vmax.f32 v3, v0;
	v36 =	vmin.f32 v21, v39;
	v21 =	vmax.f32 v21, v39  }
0x8e: {  	v5 =	vmax.f32 v5, v35;
	v37 =	vmin.f32 v14, v41;
	v14 =	vmax.f32 v14, v41  }
0x8f: {  	v6 =	vmax.f32 v6, v36;
	v38 =	vmin.f32 v12, v42;
	v12 =	vmax.f32 v12, v42  }
0x90: {  	s24 =	sshra.s32 s25, $0x2;
	s25 =	sadd.s32 $0x200, s25;
	v39 =	vmin.f32 v31, v40;
	v31 =	vmovc v27;
	v9 =	vmax.f32 v9, v37;
	v10 =	vmax.f32 v10, v38  }
0x91: {  	v40 =	vld [tilespmem:s24+$0x4070]  }
0x92: {  	v4 =	vmin.f32 v4, v34;
	v0 =	vmin.f32 v7, v0;
	v7 =	vld [tilespmem:s24+$0x4000]  }
0x93: {  	v11 =	vmin.f32 v11, v35;
	v28 =	vmin.f32 v28, v36;
	v33 =	vmin.f32 v33, v37;
	v57 =	vld [tilespmem:s24+$0x4010]  }
0x94: {  	v32 =	vmin.f32 v32, v38;
	v58 =	vmax.f32 v15, v39;
	v15 =	vld [tilespmem:s24+$0x4030];
	v8 =	vmax.f32 v2, v8  }
0x95: {  	v13 =	vmax.f32 v13, v30;
	v59 =	vmax.f32 v22, v4;
	v0 =	vmax.f32 v23, v0;
	v4 =	vld [tilespmem:s24+$0x4020]  }
0x96: {  	v11 =	vmax.f32 v16, v11;
	v60 =	vmax.f32 v24, v28;
	v33 =	vmax.f32 v25, v33;
	v16 =	vld [tilespmem:s24+$0x4040]  }
0x97: {  	v29 =	vmax.f32 v29, v32;
	v61 =	vmin.f32 v8, v40;
	v30 =	vmax.f32 v17, v7  }
0x98: {  	v7 =	vmin.f32 v17, v7;
	v62 =	vmax.f32 v18, v57;
	v18 =	vmin.f32 v18, v57  }
0x99: {  	v42 =	vmax.f32 v20, v15;
	v20 =	vmin.f32 v20, v15;
	v2 =	vmin.f32 v13, v61  }
0x9a: {  	v22 =	vld [tilespmem:s24+$0x4060];
	v45 =	vmax.f32 v27, v7;
	v41 =	vmax.f32 v19, v4;
	v19 =	vmin.f32 v19, v4  }
0x9b: {  	v17 =	vld [tilespmem:s24+$0x4050];
	_ =	swait.ge [sflag:s19], $0x2000;
	v43 =	vmax.f32 v21, v16;
	v21 =	vmin.f32 v21, v16;
	v16 =	vmax.f32 v5, v20  }
0x9c: {  	[sflag:s19] =	ssyncset.done $0x0;
	v7 =	vmin.f32 v31, v7;
	v5 =	vmin.f32 v5, v20;
	v63 =	vmax.f32 v26, v2  }
0x9d: {  	s31 =	simm.s32 $0x0;
	v2 =	vmax.f32 v1, v18;
	v15 =	vmax.f32 v3, v19;
	v28 =	vmax.f32 v6, v21;
	[sflag:s19] =	ssyncadd.s32 $0xFFFFE000  }
0x9e: {  	v1 =	vmin.f32 v1, v18;
	v3 =	vmin.f32 v3, v19;
	v6 =	vmin.f32 v6, v21;
	v4 =	vld [tilespmem:s31+$0x6070]  }
0x9f: {  	v23 =	vmax.f32 v11, v5;
	v11 =	vmax.f32 v8, v40;
	v18 =	vld [tilespmem:s31+$0x6000];
	v24 =	vmax.f32 v59, v1  }
0xa0: {  	v25 =	vmax.f32 v0, v3;
	v0 =	vld [tilespmem:s31+$0x6020];
	v26 =	vmax.f32 v60, v6;
	v44 =	vmax.f32 v14, v17  }
0xa1: {  	v14 =	vmin.f32 v14, v17;
	v17 =	vmax.f32 v12, v22;
	v12 =	vmin.f32 v12, v22  }
0xa2: {  	v22 =	vmax.f32 v58, v7;
	v7 =	vld [tilespmem:s31+$0x6010];
	v31 =	vmax.f32 v9, v14;
	v32 =	vmax.f32 v10, v12  }
0xa3: {  	v8 =	vld [tilespmem:s31+$0x6030];
	v9 =	vmin.f32 v9, v14;
	v10 =	vmin.f32 v10, v12;
	v12 =	vmax.f32 v13, v61  }
0xa4: {  	v20 =	vmax.f32 v33, v9;
	v27 =	vmax.f32 v29, v10;
	v9 =	vld [tilespmem:s31+$0x6040];
	v13 =	vmin.f32 v11, v4  }
0xa5: {  	v10 =	vld [tilespmem:s31+$0x6050];
	v1 =	vmax.f32 v30, v18;
	v14 =	vmin.f32 v30, v18;
	v40 =	vmin.f32 v41, v0  }
0xa6: {  	v18 =	vld [tilespmem:s31+$0x6060];
	v5 =	vmin.f32 v12, v13;
	v6 =	vmax.f32 v45, v14;
	v33 =	vmax.f32 v15, v40  }
0xa7: {  	v45 =	vmin.f32 v45, v14;
	v3 =	vmax.f32 v62, v7;
	v39 =	vmin.f32 v62, v7  }
0xa8: {  	v30 =	vmax.f32 v63, v5;
	v5 =	vmax.f32 v41, v0;
	v41 =	vmin.f32 v42, v8  }
0xa9: {  	v7 =	vmax.f32 v42, v8;
	v29 =	vmax.f32 v2, v39;
	v34 =	vmax.f32 v16, v41  }
0xaa: {  	v8 =	vmax.f32 v43, v9;
	v42 =	vmin.f32 v43, v9;
	v9 =	vmax.f32 v44, v10  }
0xab: {  	v43 =	vmin.f32 v44, v10;
	v35 =	vmax.f32 v28, v42;
	v44 =	vmin.f32 v17, v18  }
0xac: {  	s25 =	simm.s32 $0x80;
	s24 =	simm.s32 $0x400;
	v38 =	vmovc v6;
	v10 =	vmax.f32 v17, v18;
	v37 =	vmax.f32 v31, v43;
	v36 =	vmax.f32 v32, v44  }
.LBB2_8:
0xad: {  	p0 =	sne.s32 s24, $0x7E00;
	v0 =	vld [tilespmem:s25+$0x6070];
	v14 =	vmin.f32 v2, v39;
	v17 =	vmin.f32 v15, v40;
	v18 =	vmin.f32 v16, v41;
	v2 =	vmovc v29  }
0xae: {  	v21 =	vmin.f32 v28, v42;
	v39 =	vmin.f32 v31, v43;
	v31 =	vmin.f32 v32, v44;
	v15 =	vmovc v33;
	v19 =	vld [tilespmem:s25+$0x6000]  }
0xaf: {  	v22 =	vmax.f32 v22, v45;
	v16 =	vmovc v34;
	v24 =	vmax.f32 v24, v14;
	v25 =	vmax.f32 v25, v17;
	v40 =	vld [tilespmem:s25+$0x6010]  }
0xb0: {  	v28 =	vmovc v35;
	v23 =	vmax.f32 v23, v18;
	v26 =	vmax.f32 v26, v21;
	v20 =	vmax.f32 v20, v39;
	v14 =	vld [tilespmem:s25+$0x6020]  }
0xb1: {  	v11 =	vmax.f32 v11, v4;
	v32 =	vmovc v36;
	v27 =	vmax.f32 v27, v31;
	v31 =	vmov v37;
	v17 =	vld [tilespmem:s25+$0x6030]  }
0xb2: {  	v12 =	vmax.f32 v12, v13;
	v18 =	vld [tilespmem:s25+$0x6040];
	v13 =	vmin.f32 v11, v0;
	v4 =	vmov v0  }
0xb3: {  	v0 =	vmin.f32 v1, v19;
	v1 =	vmax.f32 v1, v19;
	v19 =	vld [tilespmem:s25+$0x6050];
	v21 =	vmin.f32 v12, v13  }
0xb4: {  	v39 =	vmin.f32 v3, v40;
	v3 =	vmax.f32 v3, v40;
	v45 =	vld [tilespmem:s25+$0x6060];
	v30 =	vmax.f32 v30, v21  }
0xb5: {  	v6 =	vmax.f32 v6, v0;
	v40 =	vmin.f32 v5, v14;
	v5 =	vmax.f32 v5, v14  }
.Ltmp3:
0xb6: {  	v29 =	vmax.f32 v29, v39;
	v41 =	vmin.f32 v7, v17;
	v7 =	vmax.f32 v7, v17;
	(pc) =	sbr.rel @p0 .LBB2_8-.Ltmp3, $4  }
0xb7: {  	v33 =	vmax.f32 v33, v40;
	v42 =	vmin.f32 v8, v18;
	v8 =	vmax.f32 v8, v18  }
0xb8: {  	v34 =	vmax.f32 v34, v41;
	v43 =	vmin.f32 v9, v19;
	v9 =	vmax.f32 v9, v19  }
0xb9: {  	v35 =	vmax.f32 v35, v42;
	v44 =	vmin.f32 v10, v45;
	v10 =	vmax.f32 v10, v45  }
0xba: {  	s25 =	sshra.s32 s24, $0x2;
	s24 =	sadd.s32 $0x200, s24;
	v45 =	vmin.f32 v38, v0;
	v37 =	vmax.f32 v37, v43;
	v38 =	vmovc v6;
	v36 =	vmax.f32 v36, v44  }
0xbb: {  	v0 =	vld [tilespmem:s25+$0x6070]  }
0xbc: {  	v14 =	vld [tilespmem:s25+$0x6000]  }
0xbd: {  	v17 =	vld [tilespmem:s25+$0x6010]  }
0xbe: {  	v18 =	vld [tilespmem:s25+$0x6020]  }
0xbf: {  	v19 =	vld [tilespmem:s25+$0x6030]  }
0xc0: {  	v21 =	vld [tilespmem:s25+$0x6040]  }
0xc1: {  	v46 =	vld [tilespmem:s25+$0x6050]  }
0xc2: {  	v47 =	vld [tilespmem:s25+$0x6060]  }
0xc3: {  	v4 =	vmax.f32 v11, v4  }
0xc4: {  	v49 =	vmax.f32 v12, v13;
	v48 =	vmin.f32 v4, v0  }
0xc5: {  	v11 =	vmax.f32 v1, v14;
	v12 =	vmax.f32 v3, v17;
	v13 =	vmax.f32 v5, v18  }
0xc6: {  	v50 =	vmax.f32 v7, v19;
	v51 =	vmax.f32 v8, v21;
	v52 =	vmax.f32 v9, v46  }
0xc7: {  	v53 =	vmax.f32 v10, v47;
	v0 =	vmax.f32 v4, v0;
	v4 =	vmax.f32 v11, v12  }
0xc8: {  	v54 =	vmax.f32 v13, v50;
	v55 =	vmax.f32 v51, v52;
	v56 =	vmax.f32 v53, v0  }
0xc9: {  	v1 =	vmin.f32 v1, v14;
	v57 =	vmax.f32 v4, v54;
	v58 =	vmax.f32 v55, v56  }
0xca: {  	v59 =	vmin.f32 v3, v17;
	v61 =	vmin.f32 v5, v18;
	v60 =	vmax.f32 v57, v58  }
0xcb: {  	v62 =	vmin.f32 v7, v19;
	v63 =	vmin.f32 v8, v21;
	v46 =	vmin.f32 v9, v46;
	(xrf0) =	vmax.scan.msk.f32 $0xffff, v60  }
0xcc: {  	v47 =	vmin.f32 v10, v47;
	v3 =	vmax.f32 v6, v1;
	v5 =	vmax.f32 v29, v59  }
0xcd: {  	v6 =	vmax.f32 v33, v61;
	v7 =	vmax.f32 v34, v62;
	v9 =	vmax.f32 v35, v63  }
0xce: {  	v10 =	vmax.f32 v37, v46;
	v14 =	vmax.f32 v36, v47;
	v18 =	vmax.f32 v49, v48  }
0xcf: {  	v19 =	vmin.f32 v11, v12;
	v12 =	vmin.f32 v13, v50;
	v8 =	vmin.f32 v51, v52  }
0xd0: {  	v13 =	vmin.f32 v53, v0;
	v21 =	vmax.f32 v3, v5;
	v17 =	vmax.f32 v6, v7  }
0xd1: {  	v10 =	vmax.f32 v9, v10;
	v18 =	vmax.f32 v14, v18;
	v11 =	vmin.f32 v4, v54;
	v7, _, _ =	vpop (xrf0)  }
0xd2: {  	v3 =	vmax.f32 v19, v21;
	v5 =	vmax.f32 v12, v17;
	v53 =	vbroadcast v7, $0xF  }
0xd3: {  	v6 =	vmax.f32 v8, v10;
	v0 =	vmax.f32 v13, v18;
	v14 =	vmax.f32 v3, v5  }
0xd4: {  	v9 =	vmax.f32 v6, v0;
	v7 =	vmin.f32 v55, v56;
	vm5 =	veq.f32 v60, v53  }
0xd5: {  	v0 =	vmax.f32 v11, v14;
	v3 =	vmax.f32 v7, v9;
	v50 =	vmctz.xlane vm5  }
0xd6: {  	v5 =	vmin.f32 v57, v58;
	v6 =	vmax.f32 v0, v3;
	v0 =	vlaneseq.u32  }
0xd7: {  	v4 =	vmax.f32 v5, v6;
	vm5 =	veq.s32 v50, v0  }
0xd8: {  	v3 =	vsel vm5, v4, v60  }
0xd9: {  	(xrf0) =	vmax.scan.msk.f32 $0xffff, v3;
	_ =	sdelay $0x1  }
0xda: {  	v22 =	vmax.f32 v22, v45;
	v1 =	vmin.f32 v38, v1;
	v51 =	vimm.f32 $-Inf  }
0xdb: {  	v52 =	vimm.f32 $-Inf;
	v54 =	vimm.f32 $-Inf;
	v57 =	vimm.f32 $-Inf  }
0xdc: {  	v58 =	vimm.f32 $-Inf;
	v56 =	vimm.f32 $-Inf;
	v55 =	vimm.f32 $-Inf  }
0xdd: {  	[tilespmem:$0x1FFA0] =	vst v53;
	v53 =	vimm.f32 $-Inf;
	v0 =	vmin.f32 v2, v39;
	v2 =	vmin.f32 v15, v40  }
0xde: {  	v15 =	vmin.f32 v16, v41;
	v16 =	vmin.f32 v28, v42;
	v28 =	vmin.f32 v31, v43;
	v60, _, _ =	vpop (xrf0)  }
0xdf: {  	v31 =	vmin.f32 v32, v44;
	v50 =	vimm.f32 $-Inf;
	v0 =	vmax.f32 v24, v0;
	_ =	swait.ge [sflag:s20], $0x8000  }
0xe0: {  	v2 =	vmax.f32 v25, v2;
	v15 =	vmax.f32 v23, v15;
	v16 =	vmax.f32 v26, v16;
	[sflag:s20] =	ssyncset.done $0x0  }
0xe1: {  	s24 =	simm.s32 $0x0;
	v23 =	vmin.f32 v49, v48;
	v20 =	vmax.f32 v20, v28;
	v24 =	vmax.f32 v27, v31;
	[sflag:s20] =	ssyncadd.s32 $0xFFFF8000  }
0xe2: {  	v25 =	vmin.f32 v33, v61;
	v26 =	vmin.f32 v34, v62;
	v23 =	vmax.f32 v30, v23;
	v42 =	vld [tilespmem:s24+$0x8070]  }
0xe3: {  	v27 =	vmin.f32 v35, v63;
	v28 =	vmin.f32 v37, v46;
	[tilespmem:$0x1FFB0] =	vst v23;
	v23 =	vmin.f32 v29, v59;
	v29 =	vld [tilespmem:s24+$0x8000]  }
0xe4: {  	v37 =	vmax.f32 v22, v1;
	v46 =	vimm.f32 $-Inf;
	v48 =	vimm.f32 $-Inf;
	v1 =	vld [tilespmem:s24+$0x8010]  }
0xe5: {  	v38 =	vmax.f32 v2, v25;
	v2 =	vmax.f32 v16, v27;
	v41 =	vmax.f32 v0, v23;
	v0 =	vld [tilespmem:s24+$0x8020]  }
0xe6: {  	v49 =	vimm.f32 $-Inf;
	v30 =	vmin.f32 v36, v47;
	v22 =	vbroadcast v60, $0xF;
	[tilespmem:$0x1FFC0] =	vst v2;
	v2 =	vld [tilespmem:s24+$0x8030]  }
0xe7: {  	v40 =	vmax.f32 v15, v26;
	v39 =	vmax.f32 v20, v28;
	v47 =	vimm.f32 $-Inf;
	v20 =	vld [tilespmem:s24+$0x8040]  }
0xe8: {  	v15 =	vmax.f32 v24, v30;
	v60 =	vimm.f32 $-Inf;
	[tilespmem:$0x1FFD0] =	vst v22;
	vm6 =	veq.f32 v3, v22;
	v22 =	vld [tilespmem:s24+$0x8050]  }
0xe9: {  	[tilespmem:$0x1FFE0] =	vst v15;
	v59 =	vimm.f32 $-Inf;
	v15 =	vmctz.xlane vm6;
	v24 =	vld [tilespmem:s24+$0x8060];
	v45 =	vmin.f32 v46, v42  }
0xea: {  	v43 =	vmax.f32 v46, v29;
	v23 =	vmin.f32 v46, v29;
	v44 =	vmax.f32 v46, v1  }
0xeb: {  	v61 =	vmin.f32 v46, v1;
	v30 =	vmax.f32 v46, v0;
	v62 =	vmin.f32 v46, v0  }
0xec: {  	v31 =	vmax.f32 v46, v2;
	v63 =	vmin.f32 v46, v2;
	v32 =	vmax.f32 v46, v20  }
0xed: {  	v0 =	vmin.f32 v46, v20;
	v33 =	vmax.f32 v46, v22;
	v1 =	vmin.f32 v46, v22  }
0xee: {  	[tilespmem:$0x1FFF0] =	vst v15;
	v34 =	vmax.f32 v46, v24;
	v2 =	vmin.f32 v46, v24;
	v15 =	vmin.f32 v46, v45  }
0xef: {  	v26 =	vmax.f32 v46, v23;
	v16 =	vmax.f32 v46, v62;
	v20 =	vmax.f32 v46, v63  }
0xf0: {  	v22 =	vmax.f32 v46, v0;
	v25 =	vmin.f32 v46, v23;
	v23 =	vmax.f32 v46, v1  }
0xf1: {  	s25 =	simm.s32 $0x400;
	s24 =	simm.s32 $0x80;
	v24 =	vmax.f32 v46, v2;
	v29 =	vmax.f32 v46, v15;
	v15 =	vmax.f32 v46, v61;
	v28 =	vmovc v26  }
.LBB2_10:
0xf2: {  	p0 =	sne.s32 s25, $0x1FE00;
	v27 =	vld [tilespmem:s24+$0x8070];
	v61 =	vmin.f32 v46, v61;
	v62 =	vmin.f32 v56, v62;
	v63 =	vmin.f32 v57, v63;
	v46 =	vmovc v15  }
0xf3: {  	v0 =	vmin.f32 v58, v0;
	v1 =	vmin.f32 v59, v1;
	v2 =	vmin.f32 v60, v2;
	v56 =	vmovc v16;
	v35 =	vld [tilespmem:s24+$0x8000]  }
0xf4: {  	v47 =	vmax.f32 v47, v25;
	v57 =	vmovc v20;
	v48 =	vmax.f32 v48, v61;
	v49 =	vmax.f32 v49, v62;
	v36 =	vld [tilespmem:s24+$0x8010]  }
0xf5: {  	v58 =	vmovc v22;
	v50 =	vmax.f32 v50, v63;
	v51 =	vmax.f32 v51, v0;
	v52 =	vmax.f32 v52, v1;
	v25 =	vld [tilespmem:s24+$0x8020]  }
0xf6: {  	v54 =	vmax.f32 v54, v42;
	v59 =	vmovc v23;
	v60 =	vmov v24;
	v53 =	vmax.f32 v53, v2;
	v0 =	vld [tilespmem:s24+$0x8030]  }
0xf7: {  	v55 =	vmax.f32 v55, v45;
	v1 =	vld [tilespmem:s24+$0x8040];
	v45 =	vmin.f32 v54, v27;
	v42 =	vmov v27  }
0xf8: {  	v27 =	vmin.f32 v43, v35;
	v43 =	vmax.f32 v43, v35;
	v2 =	vld [tilespmem:s24+$0x8050];
	v35 =	vmin.f32 v55, v45  }
0xf9: {  	v61 =	vmin.f32 v44, v36;
	v44 =	vmax.f32 v44, v36;
	v36 =	vld [tilespmem:s24+$0x8060];
	v29 =	vmax.f32 v29, v35  }
0xfa: {  	v26 =	vmax.f32 v26, v27;
	v62 =	vmin.f32 v30, v25;
	v30 =	vmax.f32 v30, v25  }
.Ltmp4:
0xfb: {  	v15 =	vmax.f32 v15, v61;
	v63 =	vmin.f32 v31, v0;
	v31 =	vmax.f32 v31, v0;
	(pc) =	sbr.rel @p0 .LBB2_10-.Ltmp4, $4  }
0xfc: {  	v16 =	vmax.f32 v16, v62;
	v0 =	vmin.f32 v32, v1;
	v32 =	vmax.f32 v32, v1  }
0xfd: {  	v20 =	vmax.f32 v20, v63;
	v1 =	vmin.f32 v33, v2;
	v33 =	vmax.f32 v33, v2  }
0xfe: {  	v22 =	vmax.f32 v22, v0;
	v2 =	vmin.f32 v34, v36;
	v34 =	vmax.f32 v34, v36  }
0xff: {  	s24 =	sshra.s32 s25, $0x2;
	s25 =	sadd.s32 $0x200, s25;
	v25 =	vmin.f32 v28, v27;
	v28 =	vmovc v26;
	v23 =	vmax.f32 v23, v1;
	v24 =	vmax.f32 v24, v2  }
0x100: {  	v27 =	vld [tilespmem:s24+$0x8000];
	v35 =	vmin.f32 v46, v61  }
0x101: {  	v36 =	vmin.f32 v56, v62;
	v62 =	vmin.f32 v57, v63;
	v63 =	vld [tilespmem:s24+$0x8010];
	v0 =	vmin.f32 v58, v0  }
0x102: {  	v1 =	vmin.f32 v59, v1;
	v2 =	vmin.f32 v60, v2;
	v25 =	vmax.f32 v47, v25;
	v61 =	vld [tilespmem:s24+$0x8070]  }
0x103: {  	v42 =	vmax.f32 v54, v42;
	v45 =	vmax.f32 v55, v45;
	v19 =	vmin.f32 v19, v21;
	v21 =	vld [tilespmem:s24+$0x8030]  }
0x104: {  	v12 =	vmin.f32 v12, v17;
	v46 =	vmax.f32 v50, v62;
	v62 =	vmax.f32 v37, v41;
	v37 =	vld [tilespmem:s24+$0x8020]  }
0x105: {  	v8 =	vmin.f32 v8, v10;
	v11 =	vmin.f32 v11, v14;
	v35 =	vmax.f32 v48, v35;
	v41 =	vld [tilespmem:$0x1FFB0]  }
0x106: {  	v36 =	vmax.f32 v49, v36;
	v49 =	vld [tilespmem:$0x1FFE0];
	v48 =	vmax.f32 v43, v27;
	v27 =	vmin.f32 v43, v27  }
0x107: {  	v43 =	vmax.f32 v44, v63;
	v44 =	vmin.f32 v44, v63;
	v63 =	vmax.f32 v38, v40;
	v38 =	vld [tilespmem:$0x1FFC0]  }
0x108: {  	v7 =	vmin.f32 v7, v9;
	v5 =	vmin.f32 v5, v6;
	v0 =	vmax.f32 v51, v0;
	v50 =	vld [tilespmem:s24+$0x8050]  }
0x109: {  	v1 =	vmax.f32 v52, v1;
	v2 =	vmax.f32 v53, v2;
	v19 =	vmax.f32 v19, v62  }
0x10a: {  	v40 =	vmin.f32 v13, v18;
	v51 =	vmin.f32 v42, v61;
	v55 =	vmax.f32 v31, v21  }
0x10b: {  	v17 =	vld [tilespmem:s24+$0x8040];
	v58 =	vmax.f32 v42, v61;
	v21 =	vmin.f32 v31, v21;
	v12 =	vmax.f32 v12, v63  }
0x10c: {  	v52 =	vld [tilespmem:s24+$0x8060];
	v13 =	vmax.f32 v49, v41;
	v54 =	vmax.f32 v30, v37;
	v10 =	vmax.f32 v38, v39  }
0x10d: {  	v59 =	vld [tilespmem:$0x1FFF0];
	v56 =	vmax.f32 v33, v50;
	v8 =	vmax.f32 v8, v10;
	v10 =	vmax.f32 v40, v13  }
0x10e: {  	v41 =	vlaneseq.u32;
	v12 =	vmax.f32 v19, v12;
	v8 =	vmax.f32 v8, v10  }
0x10f: {  	v60 =	vmax.f32 v48, v43;
	v11 =	vmax.f32 v11, v12;
	v7 =	vmax.f32 v7, v8  }
0x110: {  	v61 =	vmax.f32 v54, v55;
	v12 =	vmax.f32 v32, v17;
	v57 =	vmax.f32 v11, v7  }
0x111: {  	v62 =	vmax.f32 v12, v56;
	v7 =	vmax.f32 v34, v52;
	v5 =	vmax.f32 v5, v57  }
0x112: {  	v63 =	vmax.f32 v7, v58;
	v4 =	vsel vm5, v5, v4;
	vm5 =	veq.s32 v59, v41  }
0x113: {  	v40 =	vmax.f32 v62, v63;
	v3 =	vsel vm5, v4, v3;
	v4 =	vmax.f32 v60, v61  }
0x114: {  	v53 =	vmin.f32 v45, v51;
	v26 =	vmax.f32 v26, v27;
	(xrf0) =	vmax.scan.msk.f32 $0xffff, v3;
	v3 =	vmax.f32 v4, v40  }
0x115: {  	v18 =	vmin.f32 v33, v50;
	v47 =	vmax.f32 v15, v44;
	v14 =	vmin.f32 v34, v52;
	(xrf0) =	vmax.scan.msk.f32 $0xffff, v3  }
0x116: {  	v50 =	vmax.f32 v20, v21;
	v19 =	vmax.f32 v29, v53;
	v29 =	vmin.f32 v30, v37  }
0x117: {  	v26 =	vmax.f32 v26, v47;
	v53 =	vmax.f32 v23, v18;
	v9 =	vmin.f32 v54, v55  }
0x118: {  	v55 =	vmax.f32 v24, v14;
	v17 =	vmin.f32 v32, v17;
	v49 =	vmax.f32 v16, v29  }
0x119: {  	v54 =	vmax.f32 v49, v50;
	v13 =	vmax.f32 v45, v51;
	v51 =	vmin.f32 v48, v43  }
0x11a: {  	v13 =	vmax.f32 v55, v13;
	v8 =	vmin.f32 v12, v56;
	v52 =	vmax.f32 v22, v17;
	v31, _, _ =	vpop (xrf0)  }
0x11b: {  	v56 =	vmax.f32 v51, v26;
	v30 =	vmax.f32 v52, v53;
	v7 =	vmin.f32 v7, v58;
	v58, _, _ =	vpop (xrf0)  }
0x11c: {  	v57 =	vmax.f32 v9, v54;
	v59 =	vmax.f32 v8, v30;
	v11 =	vbroadcast v58, $0xF  }
0x11d: {  	v5 =	vmin.f32 v60, v61;
	v12 =	vmax.f32 v56, v57;
	v60 =	vmax.f32 v7, v13  }
0x11e: {  	v61 =	vmin.f32 v62, v63;
	v6 =	vmax.f32 v59, v60;
	vm5 =	veq.f32 v3, v11  }
0x11f: {  	v62 =	vmax.f32 v5, v12;
	v63 =	vmax.f32 v61, v6;
	v42 =	vmctz.xlane vm5  }
0x120: {  	v27 =	vmin.f32 v28, v27;
	v4 =	vmin.f32 v4, v40;
	v43 =	vmax.f32 v62, v63  }
0x121: {  	v18 =	vmin.f32 v23, v18;
	v32 =	vmax.f32 v4, v43;
	vm5 =	veq.s32 v42, v41  }
0x122: {  	v14 =	vmin.f32 v24, v14;
	v47 =	vmin.f32 v16, v29;
	v3 =	vsel vm5, v32, v3  }
0x123: {  	v1 =	vmax.f32 v1, v18;
	v2 =	vmax.f32 v2, v14;
	v49 =	vmax.f32 v25, v27;
	(xrf0) =	vmax.scan.msk.f32 $0xffff, v3  }
0x124: {  	v16 =	vmax.f32 v36, v47;
	v45 =	vmin.f32 v15, v44;
	v48 =	vmin.f32 v20, v21  }
0x125: {  	v2 =	vmax.f32 v2, v19;
	v15 =	vmax.f32 v35, v45;
	v20 =	vmax.f32 v46, v48  }
0x126: {  	v50 =	vmin.f32 v51, v26;
	v15 =	vmax.f32 v49, v15;
	v17 =	vmin.f32 v22, v17  }
0x127: {  	v51 =	vmax.f32 v16, v20;
	v14 =	vmax.f32 v50, v15;
	v0 =	vmax.f32 v0, v17  }
0x128: {  	v9 =	vmin.f32 v9, v54;
	v8 =	vmin.f32 v8, v30;
	v0 =	vmax.f32 v0, v1  }
0x129: {  	v9 =	vmax.f32 v9, v51;
	v52 =	vmin.f32 v7, v13;
	v0 =	vmax.f32 v8, v0;
	v53, _, _ =	vpop (xrf0)  }
0x12a: {  	v1 =	vmax.f32 v52, v2;
	v54 =	vmin.f32 v5, v12;
	v55 =	vbroadcast v53, $0xF  }
0x12b: {  	v56 =	vmax.f32 v14, v9;
	v0 =	vmax.f32 v0, v1;
	v6 =	vmin.f32 v61, v6  }
0x12c: {  	v57 =	vmax.f32 v54, v56;
	v0 =	vmax.f32 v6, v0;
	vm6 =	veq.f32 v3, v55  }
0x12d: {  	v0 =	vmax.f32 v57, v0;
	v58 =	vmin.f32 v4, v43;
	v59 =	vmctz.xlane vm6  }
0x12e: {  	v0 =	vmax.f32 v58, v0  }
0x12f: {  	v0 =	vsel vm5, v0, v32;
	vm5 =	veq.s32 v59, v41  }
0x130: {  	v60 =	vld [tilespmem:$0x1FFA0];
	v0 =	vsel vm5, v0, v3  }
0x131: {  	v62 =	vld [tilespmem:$0x1FFD0];
	(xrf0) =	vmax.scan.msk.f32 $0xffff, v0;
	_ =	sdelay $0x2  }
0x132: {  	vm5 =	vmmov $0x1  }
0x133: {  	v61 =	vbroadcast v31, $0xF;
	v0 =	vnsel vm5, $0x0, v60  }
0x134: {  	v0 =	vsel vm0, v0, v62  }
0x135: {  	v0 =	vsel vm1, v0, v61;
	v63, _, _ =	vpop (xrf0)  }
0x136: {  	v0 =	vsel vm2, v0, v11;
	v1 =	vbroadcast v63, $0xF  }
0x137: {  	s23 =	sadd.s32 $0x1, s23;
	v0 =	vsel vm3, v0, v55  }
0x138: {  	p0 =	sne.s32 s23, s9;
	v0 =	vsel vm4, v0, v1  }
.Ltmp5:
0x139: {  	[tilespmem:$0x10000] =	vst v0;
	(pc) =	sbr.rel @p0 .LBB2_1-.Ltmp5, $4  }
0x13a: {  	[hbm4b:s8+s2] =	stream.linear.scatter [tilespmem:s21], [sflag:$0x6], $0x80, $0x38;
	[tilespmem:$0x10080] =	vst v63  }
0x13b: {  	_ =	swait.ge [sflag:s22], $0x80  }
0x13c: {  	[sflag:s22] =	ssyncset.done $0x0  }
0x13d: {  	[sflag:s22] =	ssyncadd.s32 $0xFFFFFF80  }
0x13e: {  	_ =	sfence.sel $0x180000  }
0x13f: {  	[bflag:$0x0] =	sbarrier.arrive $0xFFFF  }
0x140: {  	p0 =	sne.s32 s1, $0x0;
	_ =	strace $0x90000047  }
0x141: {  	s0 =	sadd.s32 @!p0 $0x100000, s0;
	[bflag:$0x2] =	sbarrier.arrive $0xFFFF  }
0x142: {  	[sflag:s0] =	ssyncadd.tile.s32 @!p0 $0x1;
	_ =	shalt  }
.Lfunc_end2:
_tile_overlayer_lowered:
.L_overlay_start_2:
0x143: {  	(tag) =	ssettag $0x2  }
0x144: {  	s0 =	rddreg [dreg:$0x0];
	s2 =	stileid.u32  }
0x145: {  	s1 =	rddreg [dreg:$0x1];
	p0 =	sne.s32 s2, $0x0  }
0x146: {  	s3 =	rddreg [dreg:$0x2];
	[bflag:$0x3] =	sbarrier.arrive $0xFFFF;
	s2 =	simm.s32 @!p0 $0x1C06  }
0x147: {  	[timem:s3], [sflag:s2] =	dma.local @!p0 [hbm:s0], s1  }
0x148: {  	s0 =	simm.s32 @!p0 $0x6  }
0x149: {  	_ =	swait.ge @!p0 [sflag:s0], s1  }
0x14a: {  	s1 =	ssub.s32 @!p0 $0x0, s1;
	[sflag:s0] =	ssyncset.done @!p0 $0x0  }
0x14b: {  	[sflag:s0] =	ssyncadd.s32 @!p0 s1  }
0x14c: {  	[bflag:$0x3] =	sbarrier.arrive $0xFFFF  }
0x14d: {  	_ =	shalt  }

</sc_bundles>
